<compile_context>
chip_gen: v7x
topology: tpu7x:2x2x1
jax: 0.10.2.dev20260603
libtpu: 0.0.44.dev20260713+nightly
codegen_flags: <defaults>
</compile_context>

<pallas_src>
import functools

import jax
import jax.numpy as jnp
from jax import lax
from jax.experimental import pallas as pl
from jax.experimental.pallas import tpu as pltpu
from jax.experimental.pallas import tpu_sc as plsc

B = 16
L = 2048
V = 320
D = 1024
LANES = 16


def _tc_freq_sums(freqs):

  def body(f_ref, o_ref):
    f = f_ref[...]
    o_ref[...] = jnp.stack([jnp.sum(f, axis=1), jnp.sum(f, axis=0)])

  return pl.pallas_call(
      body,
      out_shape=jax.ShapeDtypeStruct((2, V), jnp.float32),
  )(freqs)


def _sc_local_weights(vx, vy):
  mesh = plsc.VectorSubcoreMesh(core_axis_name="c", subcore_axis_name="s")

  @functools.partial(
      pl.kernel,
      mesh=mesh,
      compiler_params=pltpu.CompilerParams(needs_layout_passes=False),
      out_type=jax.ShapeDtypeStruct((B, L), jnp.float32),
      scratch_types=[
          pltpu.VMEM((L // 2,), jnp.int32),
          pltpu.VMEM((L // 2,), jnp.int32),
          pltpu.VMEM((2 * V,), jnp.float32),
          pltpu.VMEM((2 * V,), jnp.float32),
          pltpu.VMEM((L // 2,), jnp.float32),
          pltpu.VMEM_SHARED((16, 2 * V), jnp.float32),
          pltpu.SemaphoreType.DMA,
          pltpu.SemaphoreType.DMA,
      ],
  )
  def body(vx_h, vy_h, wl_h, vxv, vyv, cnt, pcnt, wlv, xch, sem1, sem2):
    c = lax.axis_index("c")
    s = lax.axis_index("s")
    zero16 = jnp.zeros((LANES,), jnp.float32)
    ones = jnp.ones((LANES,), jnp.float32)
    H = L // 2

    b = c * 8 + lax.rem(s, 8)
    off = H * (s // 8)
    partner = lax.rem(s + 8, 16)

    cp1 = pltpu.async_copy(vx_h.at[b, pl.ds(off, H)], vxv, sem1)
    cp2 = pltpu.async_copy(vy_h.at[b, pl.ds(off, H)], vyv, sem2)

    def zb(j, _):
      cnt[pl.ds(LANES * j, LANES)] = zero16
      return 0

    lax.fori_loop(0, 2 * V // LANES, zb, 0, unroll=4)
    cp1.wait()
    cp2.wait()

    def sb(i, _):
      ix = vxv[pl.ds(LANES * i, LANES)]
      iy = vyv[pl.ds(LANES * i, LANES)]
      plsc.addupdate_scatter(cnt, [ix], ones)
      plsc.addupdate_scatter(cnt, [iy + V], ones)
      return 0

    lax.fori_loop(0, H // LANES, sb, 0, unroll=4)

    pltpu.sync_copy(cnt, xch.at[s])
    plsc.subcore_barrier()
    pltpu.sync_copy(xch.at[partner], pcnt)

    def mb(j, _):
      sl = pl.ds(LANES * j, LANES)
      cnt[sl] = cnt[sl] + pcnt[sl]
      return 0

    lax.fori_loop(0, 2 * V // LANES, mb, 0, unroll=4)

    def gb(i, _):
      ix = vxv[pl.ds(LANES * i, LANES)]
      iy = vyv[pl.ds(LANES * i, LANES)] + V
      fx = plsc.load_gather(cnt, [ix])
      fy = plsc.load_gather(cnt, [iy])
      wlv[pl.ds(LANES * i, LANES)] = 1.0 / (fx + fy)
      return 0

    lax.fori_loop(0, H // LANES, gb, 0, unroll=4)

    pltpu.sync_copy(wlv, wl_h.at[b, pl.ds(off, H)])

  return body(vx, vy)


def _tc_pool(feat4, wl, gsums2, vx, vy):

  def body(f_ref, wl_ref, g_ref, vx_ref, vy_ref, o_ref):
    wlr = wl_ref[0]
    vxr = vx_ref[0]
    vyr = vy_ref[0]
    riota = lax.broadcasted_iota(jnp.int32, (V, L), 0)
    eqx = jnp.where(riota == vxr, 1.0, 0.0)
    eqy = jnp.where(riota == vyr, 1.0, 0.0)
    gx = jnp.dot(g_ref[0:1, :], eqx, preferred_element_type=jnp.float32)
    gy = jnp.dot(g_ref[1:2, :], eqy, preferred_element_type=jnp.float32)
    wgr = 1.0 / (gx + gy)
    p = wlr * wgr * (1.0 / (jnp.sum(wlr) * jnp.sum(wgr)))
    e = jnp.exp(p)
    a = e * (1.0 / jnp.sum(e))
    o_ref[...] = jnp.dot(a, f_ref[0, 0],
                         preferred_element_type=jnp.float32)[None]

  out3 = pl.pallas_call(
      body,
      grid=(B,),
      in_specs=[
          pl.BlockSpec((1, 1, L, D), lambda b: (b, 1, 0, 0)),
          pl.BlockSpec((1, 1, L), lambda b: (b, 0, 0)),
          pl.BlockSpec((2, V), lambda b: (0, 0)),
          pl.BlockSpec((1, 1, L), lambda b: (b, 0, 0)),
          pl.BlockSpec((1, 1, L), lambda b: (b, 0, 0)),
      ],
      out_specs=pl.BlockSpec((1, 1, D), lambda b: (b, 0, 0)),
      out_shape=jax.ShapeDtypeStruct((B, 1, D), jnp.float32),
  )(feat4, wl.reshape(B, 1, L), gsums2,
    vx.reshape(B, 1, L), vy.reshape(B, 1, L))
  return out3.reshape(B, D)


def kernel(input_feature, input_lengths, vq_indices, freqs):
  del input_lengths
  vx = vq_indices[:, :, 0]
  vy = vq_indices[:, :, 1]
  gsums2 = _tc_freq_sums(freqs)
  wl = _sc_local_weights(vx, vy)
  return _tc_pool(input_feature, wl, gsums2, vx, vy)

# --- scband reference (transcript-rebuilt; emitter-appended) ---
"""Pipeline reference for scband-vqmixed-prob-avg-pool-50027779064367 (READ-ONLY COPY).

The authoritative reference and input builder live on the scoring server;
editing this copy changes nothing except your own understanding.
"""

import jax, jax.numpy as jnp
import numpy as np

V = 320

def setup_inputs(seed: int = 0) -> dict:
    key = jax.random.key(seed)
    k1, k2, k3, k4 = jax.random.split(key, 4)
    input_feature = jax.random.normal(k1, (16, 2, 2048, 1024), dtype=jnp.float32)
    input_lengths = jax.random.randint(k2, (16,), 1, 2048, dtype=jnp.int32)
    vq_indices = jax.random.randint(k3, (16, 2048, 2), 0, V, dtype=jnp.int32)
    # learned/buffered parameter: co-occurrence frequency table (loaded from freq.pt in torch)
    freqs = jax.random.randint(k4, (V, V), 1, 1000, dtype=jnp.int32).astype(jnp.float32)
    return {"input_feature": input_feature, "input_lengths": input_lengths, "vq_indices": vq_indices, "freqs": freqs}

def reference(input_feature, input_lengths, vq_indices, freqs):
    # input_feature: (B, N_layers, L, D); vq_indices: (B, L, 2)
    feat = input_feature[:, -1:]  # (B, 1, L, D)
    B, N, L, D = feat.shape
    vx = vq_indices[:, :, 0]  # (B, L)
    vy = vq_indices[:, :, 1]  # (B, L)
    # local frequency of each vq index within each sample (Counter in torch code)
    counts_x = jax.vmap(lambda idx: jnp.bincount(idx, length=V))(vx)  # (B, V)
    counts_y = jax.vmap(lambda idx: jnp.bincount(idx, length=V))(vy)  # (B, V)
    fx = jnp.take_along_axis(counts_x, vx, axis=1).astype(jnp.float32)  # (B, L)
    fy = jnp.take_along_axis(counts_y, vy, axis=1).astype(jnp.float32)  # (B, L)
    local_weight = 1.0 / (fx + fy)
    local_weight = jax.nn.softmax(jnp.log(local_weight), axis=-1)
    # global frequencies from the training-set co-occurrence table
    global_count_x = freqs.sum(axis=1)  # (V,)
    global_count_y = freqs.sum(axis=0)  # (V,)
    gx = jnp.take(global_count_x, vx, axis=0)  # (B, L)
    gy = jnp.take(global_count_y, vy, axis=0)  # (B, L)
    global_weight = 1.0 / (gx + gy)
    global_weight = jax.nn.softmax(jnp.log(global_weight), axis=-1)
    avg_weights = jax.nn.softmax(global_weight * local_weight, axis=-1)
    avg_weights = avg_weights / avg_weights.sum(axis=-1, keepdims=True)
    avg_weights = avg_weights[:, None, :, None]  # (B, 1, L, 1)
    outputs = (feat * avg_weights).sum(axis=2)  # (B, 1, D)
    return outputs[:, -1, :]  # (B, D)

if __name__ == "__main__":
    import jax
    _d = setup_inputs()
    print(jax.jit(kernel)(*tuple(_d.values())))

</pallas_src>

<mosaic_0001>
#map = affine_map<(d0, d1) -> (0, 0)>
module attributes {stable_mosaic.version = 14 : i64} {
  func.func @body(%arg0: i32, %arg1: i32, %arg2: memref<16x2048xi32, #tpu.memory_space<hbm>>, %arg3: memref<16x2048xi32, #tpu.memory_space<hbm>>, %arg4: memref<16x2048xf32, #tpu.memory_space<hbm>>, %arg5: memref<1024xi32, #tpu.memory_space<vmem>>, %arg6: memref<1024xi32, #tpu.memory_space<vmem>>, %arg7: memref<640xf32, #tpu.memory_space<vmem>>, %arg8: memref<640xf32, #tpu.memory_space<vmem>>, %arg9: memref<1024xf32, #tpu.memory_space<vmem>>, %arg10: memref<16x640xf32, #tpu.memory_space<vmem_shared>>, %arg11: memref<!tpu.dma_semaphore, #tpu.memory_space<semaphore_mem>>, %arg12: memref<!tpu.dma_semaphore, #tpu.memory_space<semaphore_mem>>) attributes {dimension_semantics = [#tpu.dimension_semantics<core_parallel>, #tpu.dimension_semantics<subcore_parallel>], iteration_bounds = array<i64: 2, 16>, scalar_prefetch = 0 : i64, scratch_operands = 8 : i64, tpu.core_type = #tpu.core_type<sc_vector_subcore>, window_params = [{transform_indices = #map}, {transform_indices = #map}, {transform_indices = #map}]} {
    %broadcast_in_dim3A = arith.constant 0.000000e+00 : f32
    %broadcast_in_dim3A_0 = vector.broadcast %broadcast_in_dim3A : f32 to vector<16xf32>
    %broadcast_in_dim3A_1 = arith.constant 1.000000e+00 : f32
    %broadcast_in_dim3A_2 = vector.broadcast %broadcast_in_dim3A_1 : f32 to vector<16xf32>
    %mul3A = arith.constant 8 : i32
    %mul3A_3 = arith.muli %arg0, %mul3A : i32
    %rem3A = arith.constant 8 : i32
    %rem3A_4 = arith.remsi %arg1, %rem3A : i32
    %add3A = arith.addi %mul3A_3, %rem3A_4 : i32
    %jit3A = arith.constant 8 : i32
    %div3A = arith.divsi %arg1, %jit3A : i32
    %sign3A = arith.constant 0 : i32
    %sign3A_5 = arith.cmpi sgt, %arg1, %sign3A : i32
    %sign3A_6 = arith.extui %sign3A_5 : i1 to i32
    %sign3A_7 = arith.constant 0 : i32
    %sign3A_8 = arith.cmpi slt, %arg1, %sign3A_7 : i32
    %sign3A_9 = arith.extui %sign3A_8 : i1 to i32
    %sign3A_10 = arith.subi %sign3A_6, %sign3A_9 : i32
    %sign3A_11 = arith.constant 0 : i32
    %sign3A_12 = arith.cmpi sgt, %jit3A, %sign3A_11 : i32
    %sign3A_13 = arith.extui %sign3A_12 : i1 to i32
    %sign3A_14 = arith.constant 0 : i32
    %sign3A_15 = arith.cmpi slt, %jit3A, %sign3A_14 : i32
    %sign3A_16 = arith.extui %sign3A_15 : i1 to i32
    %sign3A_17 = arith.subi %sign3A_13, %sign3A_16 : i32
    %ne3A = arith.cmpi ne, %sign3A_10, %sign3A_17 : i32
    %rem3A_18 = arith.remsi %arg1, %jit3A : i32
    %ne3A_19 = arith.constant 0 : i32
    %ne3A_20 = arith.cmpi ne, %rem3A_18, %ne3A_19 : i32
    %and3A = arith.andi %ne3A, %ne3A_20 : i1
    %sub3A = arith.constant 1 : i32
    %sub3A_21 = arith.subi %div3A, %sub3A : i32
    %select_n3A = arith.select %and3A, %sub3A_21, %div3A : i32
    %mul3A_22 = arith.constant 1024 : i32
    %mul3A_23 = arith.muli %mul3A_22, %select_n3A : i32
    %add3A_24 = arith.constant 8 : i32
    %add3A_25 = arith.addi %arg1, %add3A_24 : i32
    %rem3A_26 = arith.constant 16 : i32
    %rem3A_27 = arith.remsi %add3A_25, %rem3A_26 : i32
    %dma_start3A = tpu.memref_slice %arg2[%add3A, %mul3A_23] : memref<16x2048xi32, #tpu.memory_space<hbm>> -> memref<1x1024xi32, #tpu.memory_space<hbm>>
    %dma_start3A_28 = tpu.memref_squeeze %dma_start3A : memref<1x1024xi32, #tpu.memory_space<hbm>> -> memref<1024xi32, #tpu.memory_space<hbm>>
    %dma_start3A_29 = tpu.memref_slice %arg2[%add3A, %mul3A_23] : memref<16x2048xi32, #tpu.memory_space<hbm>> -> memref<1x1024xi32, #tpu.memory_space<hbm>>
    %dma_start3A_30 = tpu.memref_squeeze %dma_start3A_29 : memref<1x1024xi32, #tpu.memory_space<hbm>> -> memref<1024xi32, #tpu.memory_space<hbm>>
    tpu.enqueue_dma source(%dma_start3A_30 : memref<1024xi32, #tpu.memory_space<hbm>>) target(%arg5 : memref<1024xi32, #tpu.memory_space<vmem>>) target_semaphore(%arg11 : memref<!tpu.dma_semaphore, #tpu.memory_space<semaphore_mem>>)
    %dma_start3A_31 = tpu.memref_slice %arg3[%add3A, %mul3A_23] : memref<16x2048xi32, #tpu.memory_space<hbm>> -> memref<1x1024xi32, #tpu.memory_space<hbm>>
    %dma_start3A_32 = tpu.memref_squeeze %dma_start3A_31 : memref<1x1024xi32, #tpu.memory_space<hbm>> -> memref<1024xi32, #tpu.memory_space<hbm>>
    %dma_start3A_33 = tpu.memref_slice %arg3[%add3A, %mul3A_23] : memref<16x2048xi32, #tpu.memory_space<hbm>> -> memref<1x1024xi32, #tpu.memory_space<hbm>>
    %dma_start3A_34 = tpu.memref_squeeze %dma_start3A_33 : memref<1x1024xi32, #tpu.memory_space<hbm>> -> memref<1024xi32, #tpu.memory_space<hbm>>
    tpu.enqueue_dma source(%dma_start3A_34 : memref<1024xi32, #tpu.memory_space<hbm>>) target(%arg6 : memref<1024xi32, #tpu.memory_space<vmem>>) target_semaphore(%arg12 : memref<!tpu.dma_semaphore, #tpu.memory_space<semaphore_mem>>)
    %scan3A = arith.constant 0 : i32
    %scan3A_35 = arith.constant 0 : i32
    %scan3A_36 = arith.constant 40 : i32
    %scan3A_37 = arith.addi %scan3A_35, %scan3A_36 : i32
    %scan3A_38 = arith.constant 4 : i32
    %scan3A_39 = scf.for %scan3A_69 = %scan3A_35 to %scan3A_37 step %scan3A_38 iter_args(%scan3A_70 = %scan3A) -> (i32)  : i32 {
      %mul3A_71 = arith.constant 16 : i32
      %mul3A_72 = arith.muli %mul3A_71, %scan3A_69 : i32
      %swap3A = arith.index_cast %mul3A_72 : i32 to index
      %swap3A_73 = tpu.vector_load %arg7[%swap3A] {strides = array<i32>} : memref<640xf32, #tpu.memory_space<vmem>>, vector<16xf32>,
      tpu.vector_store %arg7[%swap3A], %broadcast_in_dim3A_0 {strides = array<i32>} : memref<640xf32, #tpu.memory_space<vmem>>, vector<16xf32>,
      %scan3A_74 = arith.constant 0 : i32
      %scan3A_75 = arith.constant 1 : i32
      %scan3A_76 = arith.addi %scan3A_69, %scan3A_75 : i32
      %mul3A_77 = arith.constant 16 : i32
      %mul3A_78 = arith.muli %mul3A_77, %scan3A_76 : i32
      %swap3A_79 = arith.index_cast %mul3A_78 : i32 to index
      %swap3A_80 = tpu.vector_load %arg7[%swap3A_79] {strides = array<i32>} : memref<640xf32, #tpu.memory_space<vmem>>, vector<16xf32>,
      tpu.vector_store %arg7[%swap3A_79], %broadcast_in_dim3A_0 {strides = array<i32>} : memref<640xf32, #tpu.memory_space<vmem>>, vector<16xf32>,
      %scan3A_81 = arith.constant 0 : i32
      %scan3A_82 = arith.constant 2 : i32
      %scan3A_83 = arith.addi %scan3A_69, %scan3A_82 : i32
      %mul3A_84 = arith.constant 16 : i32
      %mul3A_85 = arith.muli %mul3A_84, %scan3A_83 : i32
      %swap3A_86 = arith.index_cast %mul3A_85 : i32 to index
      %swap3A_87 = tpu.vector_load %arg7[%swap3A_86] {strides = array<i32>} : memref<640xf32, #tpu.memory_space<vmem>>, vector<16xf32>,
      tpu.vector_store %arg7[%swap3A_86], %broadcast_in_dim3A_0 {strides = array<i32>} : memref<640xf32, #tpu.memory_space<vmem>>, vector<16xf32>,
      %scan3A_88 = arith.constant 0 : i32
      %scan3A_89 = arith.constant 3 : i32
      %scan3A_90 = arith.addi %scan3A_69, %scan3A_89 : i32
      %mul3A_91 = arith.constant 16 : i32
      %mul3A_92 = arith.muli %mul3A_91, %scan3A_90 : i32
      %swap3A_93 = arith.index_cast %mul3A_92 : i32 to index
      %swap3A_94 = tpu.vector_load %arg7[%swap3A_93] {strides = array<i32>} : memref<640xf32, #tpu.memory_space<vmem>>, vector<16xf32>,
      tpu.vector_store %arg7[%swap3A_93], %broadcast_in_dim3A_0 {strides = array<i32>} : memref<640xf32, #tpu.memory_space<vmem>>, vector<16xf32>,
      %scan3A_95 = arith.constant 0 : i32
      scf.yield %scan3A_95 : i32
    }
    %scan3A_40 = arith.constant 40 : i32
    %dma_wait3A = tpu.memref_slice %arg2[%add3A, %mul3A_23] : memref<16x2048xi32, #tpu.memory_space<hbm>> -> memref<1x1024xi32, #tpu.memory_space<hbm>>
    %dma_wait3A_41 = tpu.memref_squeeze %dma_wait3A : memref<1x1024xi32, #tpu.memory_space<hbm>> -> memref<1024xi32, #tpu.memory_space<hbm>>
    %dma_wait3A_42 = tpu.memref_slice %arg2[%add3A, %mul3A_23] : memref<16x2048xi32, #tpu.memory_space<hbm>> -> memref<1x1024xi32, #tpu.memory_space<hbm>>
    %dma_wait3A_43 = tpu.memref_squeeze %dma_wait3A_42 : memref<1x1024xi32, #tpu.memory_space<hbm>> -> memref<1024xi32, #tpu.memory_space<hbm>>
    tpu.wait_dma2 semaphore(%arg11 : memref<!tpu.dma_semaphore, #tpu.memory_space<semaphore_mem>>) src(%dma_wait3A_43 : memref<1024xi32, #tpu.memory_space<hbm>>) dst(%arg5 : memref<1024xi32, #tpu.memory_space<vmem>>)
    %dma_wait3A_44 = tpu.memref_slice %arg3[%add3A, %mul3A_23] : memref<16x2048xi32, #tpu.memory_space<hbm>> -> memref<1x1024xi32, #tpu.memory_space<hbm>>
    %dma_wait3A_45 = tpu.memref_squeeze %dma_wait3A_44 : memref<1x1024xi32, #tpu.memory_space<hbm>> -> memref<1024xi32, #tpu.memory_space<hbm>>
    %dma_wait3A_46 = tpu.memref_slice %arg3[%add3A, %mul3A_23] : memref<16x2048xi32, #tpu.memory_space<hbm>> -> memref<1x1024xi32, #tpu.memory_space<hbm>>
    %dma_wait3A_47 = tpu.memref_squeeze %dma_wait3A_46 : memref<1x1024xi32, #tpu.memory_space<hbm>> -> memref<1024xi32, #tpu.memory_space<hbm>>
    tpu.wait_dma2 semaphore(%arg12 : memref<!tpu.dma_semaphore, #tpu.memory_space<semaphore_mem>>) src(%dma_wait3A_47 : memref<1024xi32, #tpu.memory_space<hbm>>) dst(%arg6 : memref<1024xi32, #tpu.memory_space<vmem>>)
    %scan3A_48 = arith.constant 0 : i32
    %scan3A_49 = arith.constant 0 : i32
    %scan3A_50 = arith.constant 64 : i32
    %scan3A_51 = arith.addi %scan3A_49, %scan3A_50 : i32
    %scan3A_52 = arith.constant 4 : i32
    %scan3A_53 = scf.for %scan3A_69 = %scan3A_49 to %scan3A_51 step %scan3A_52 iter_args(%scan3A_70 = %scan3A_48) -> (i32)  : i32 {
      %mul3A_71 = arith.constant 16 : i32
      %mul3A_72 = arith.muli %mul3A_71, %scan3A_69 : i32
      %get3A = arith.index_cast %mul3A_72 : i32 to index
      %get3A_73 = tpu.vector_load %arg5[%get3A] {strides = array<i32>} : memref<1024xi32, #tpu.memory_space<vmem>>, vector<16xi32>,
      %mul3A_74 = arith.constant 16 : i32
      %mul3A_75 = arith.muli %mul3A_74, %scan3A_69 : i32
      %get3A_76 = arith.index_cast %mul3A_75 : i32 to index
      %get3A_77 = tpu.vector_load %arg6[%get3A_76] {strides = array<i32>} : memref<1024xi32, #tpu.memory_space<vmem>>, vector<16xi32>,
      tpu.vector_store_idx %arg7[%get3A_73], %broadcast_in_dim3A_2 {add = true} : memref<640xf32, #tpu.memory_space<vmem>>[vector<16xi32>], vector<16xf32>,
      %add3A_78 = arith.constant 320 : i32
      %add3A_79 = vector.broadcast %add3A_78 : i32 to vector<16xi32>
      %add3A_80 = arith.addi %get3A_77, %add3A_79 : vector<16xi32>
      tpu.vector_store_idx %arg7[%add3A_80], %broadcast_in_dim3A_2 {add = true} : memref<640xf32, #tpu.memory_space<vmem>>[vector<16xi32>], vector<16xf32>,
      %scan3A_81 = arith.constant 0 : i32
      %scan3A_82 = arith.constant 1 : i32
      %scan3A_83 = arith.addi %scan3A_69, %scan3A_82 : i32
      %mul3A_84 = arith.constant 16 : i32
      %mul3A_85 = arith.muli %mul3A_84, %scan3A_83 : i32
      %get3A_86 = arith.index_cast %mul3A_85 : i32 to index
      %get3A_87 = tpu.vector_load %arg5[%get3A_86] {strides = array<i32>} : memref<1024xi32, #tpu.memory_space<vmem>>, vector<16xi32>,
      %mul3A_88 = arith.constant 16 : i32
      %mul3A_89 = arith.muli %mul3A_88, %scan3A_83 : i32
      %get3A_90 = arith.index_cast %mul3A_89 : i32 to index
      %get3A_91 = tpu.vector_load %arg6[%get3A_90] {strides = array<i32>} : memref<1024xi32, #tpu.memory_space<vmem>>, vector<16xi32>,
      tpu.vector_store_idx %arg7[%get3A_87], %broadcast_in_dim3A_2 {add = true} : memref<640xf32, #tpu.memory_space<vmem>>[vector<16xi32>], vector<16xf32>,
      %add3A_92 = arith.constant 320 : i32
      %add3A_93 = vector.broadcast %add3A_92 : i32 to vector<16xi32>
      %add3A_94 = arith.addi %get3A_91, %add3A_93 : vector<16xi32>
      tpu.vector_store_idx %arg7[%add3A_94], %broadcast_in_dim3A_2 {add = true} : memref<640xf32, #tpu.memory_space<vmem>>[vector<16xi32>], vector<16xf32>,
      %scan3A_95 = arith.constant 0 : i32
      %scan3A_96 = arith.constant 2 : i32
      %scan3A_97 = arith.addi %scan3A_69, %scan3A_96 : i32
      %mul3A_98 = arith.constant 16 : i32
      %mul3A_99 = arith.muli %mul3A_98, %scan3A_97 : i32
      %get3A_100 = arith.index_cast %mul3A_99 : i32 to index
      %get3A_101 = tpu.vector_load %arg5[%get3A_100] {strides = array<i32>} : memref<1024xi32, #tpu.memory_space<vmem>>, vector<16xi32>,
      %mul3A_102 = arith.constant 16 : i32
      %mul3A_103 = arith.muli %mul3A_102, %scan3A_97 : i32
      %get3A_104 = arith.index_cast %mul3A_103 : i32 to index
      %get3A_105 = tpu.vector_load %arg6[%get3A_104] {strides = array<i32>} : memref<1024xi32, #tpu.memory_space<vmem>>, vector<16xi32>,
      tpu.vector_store_idx %arg7[%get3A_101], %broadcast_in_dim3A_2 {add = true} : memref<640xf32, #tpu.memory_space<vmem>>[vector<16xi32>], vector<16xf32>,
      %add3A_106 = arith.constant 320 : i32
      %add3A_107 = vector.broadcast %add3A_106 : i32 to vector<16xi32>
      %add3A_108 = arith.addi %get3A_105, %add3A_107 : vector<16xi32>
      tpu.vector_store_idx %arg7[%add3A_108], %broadcast_in_dim3A_2 {add = true} : memref<640xf32, #tpu.memory_space<vmem>>[vector<16xi32>], vector<16xf32>,
      %scan3A_109 = arith.constant 0 : i32
      %scan3A_110 = arith.constant 3 : i32
      %scan3A_111 = arith.addi %scan3A_69, %scan3A_110 : i32
      %mul3A_112 = arith.constant 16 : i32
      %mul3A_113 = arith.muli %mul3A_112, %scan3A_111 : i32
      %get3A_114 = arith.index_cast %mul3A_113 : i32 to index
      %get3A_115 = tpu.vector_load %arg5[%get3A_114] {strides = array<i32>} : memref<1024xi32, #tpu.memory_space<vmem>>, vector<16xi32>,
      %mul3A_116 = arith.constant 16 : i32
      %mul3A_117 = arith.muli %mul3A_116, %scan3A_111 : i32
      %get3A_118 = arith.index_cast %mul3A_117 : i32 to index
      %get3A_119 = tpu.vector_load %arg6[%get3A_118] {strides = array<i32>} : memref<1024xi32, #tpu.memory_space<vmem>>, vector<16xi32>,
      tpu.vector_store_idx %arg7[%get3A_115], %broadcast_in_dim3A_2 {add = true} : memref<640xf32, #tpu.memory_space<vmem>>[vector<16xi32>], vector<16xf32>,
      %add3A_120 = arith.constant 320 : i32
      %add3A_121 = vector.broadcast %add3A_120 : i32 to vector<16xi32>
      %add3A_122 = arith.addi %get3A_119, %add3A_121 : vector<16xi32>
      tpu.vector_store_idx %arg7[%add3A_122], %broadcast_in_dim3A_2 {add = true} : memref<640xf32, #tpu.memory_space<vmem>>[vector<16xi32>], vector<16xf32>,
      %scan3A_123 = arith.constant 0 : i32
      scf.yield %scan3A_123 : i32
    }
    %scan3A_54 = arith.constant 64 : i32
    "tpu.region"() ({
      %run_scoped3A = tpu.sem_alloc : memref<!tpu.dma_semaphore, #tpu.memory_space<semaphore_mem>>
      %dma_start3A_69 = arith.constant 0 : i32
      %dma_start3A_70 = tpu.memref_slice %arg10[%arg1, %dma_start3A_69] : memref<16x640xf32, #tpu.memory_space<vmem_shared>> -> memref<1x640xf32, #tpu.memory_space<vmem_shared>>
      %dma_start3A_71 = tpu.memref_squeeze %dma_start3A_70 : memref<1x640xf32, #tpu.memory_space<vmem_shared>> -> memref<640xf32, #tpu.memory_space<vmem_shared>>
      %dma_start3A_72 = arith.constant 0 : i32
      %dma_start3A_73 = tpu.memref_slice %arg10[%arg1, %dma_start3A_72] : memref<16x640xf32, #tpu.memory_space<vmem_shared>> -> memref<1x640xf32, #tpu.memory_space<vmem_shared>>
      %dma_start3A_74 = tpu.memref_squeeze %dma_start3A_73 : memref<1x640xf32, #tpu.memory_space<vmem_shared>> -> memref<640xf32, #tpu.memory_space<vmem_shared>>
      tpu.enqueue_dma source(%arg7 : memref<640xf32, #tpu.memory_space<vmem>>) target(%dma_start3A_74 : memref<640xf32, #tpu.memory_space<vmem_shared>>) target_semaphore(%run_scoped3A : memref<!tpu.dma_semaphore, #tpu.memory_space<semaphore_mem>>)
      %dma_wait3A_75 = arith.constant 0 : i32
      %dma_wait3A_76 = tpu.memref_slice %arg10[%arg1, %dma_wait3A_75] : memref<16x640xf32, #tpu.memory_space<vmem_shared>> -> memref<1x640xf32, #tpu.memory_space<vmem_shared>>
      %dma_wait3A_77 = tpu.memref_squeeze %dma_wait3A_76 : memref<1x640xf32, #tpu.memory_space<vmem_shared>> -> memref<640xf32, #tpu.memory_space<vmem_shared>>
      %dma_wait3A_78 = arith.constant 0 : i32
      %dma_wait3A_79 = tpu.memref_slice %arg10[%arg1, %dma_wait3A_78] : memref<16x640xf32, #tpu.memory_space<vmem_shared>> -> memref<1x640xf32, #tpu.memory_space<vmem_shared>>
      %dma_wait3A_80 = tpu.memref_squeeze %dma_wait3A_79 : memref<1x640xf32, #tpu.memory_space<vmem_shared>> -> memref<640xf32, #tpu.memory_space<vmem_shared>>
      tpu.wait_dma2 semaphore(%run_scoped3A : memref<!tpu.dma_semaphore, #tpu.memory_space<semaphore_mem>>) src(%arg7 : memref<640xf32, #tpu.memory_space<vmem>>) dst(%dma_wait3A_80 : memref<640xf32, #tpu.memory_space<vmem_shared>>)
      tpu.yield
    }) : () -> ()
    %barrier3A = arith.constant 0 : index
    tpu.barrier barrier_id(%barrier3A)
    "tpu.region"() ({
      %run_scoped3A = tpu.sem_alloc : memref<!tpu.dma_semaphore, #tpu.memory_space<semaphore_mem>>
      %dma_start3A_69 = arith.constant 0 : i32
      %dma_start3A_70 = tpu.memref_slice %arg10[%rem3A_27, %dma_start3A_69] : memref<16x640xf32, #tpu.memory_space<vmem_shared>> -> memref<1x640xf32, #tpu.memory_space<vmem_shared>>
      %dma_start3A_71 = tpu.memref_squeeze %dma_start3A_70 : memref<1x640xf32, #tpu.memory_space<vmem_shared>> -> memref<640xf32, #tpu.memory_space<vmem_shared>>
      %dma_start3A_72 = arith.constant 0 : i32
      %dma_start3A_73 = tpu.memref_slice %arg10[%rem3A_27, %dma_start3A_72] : memref<16x640xf32, #tpu.memory_space<vmem_shared>> -> memref<1x640xf32, #tpu.memory_space<vmem_shared>>
      %dma_start3A_74 = tpu.memref_squeeze %dma_start3A_73 : memref<1x640xf32, #tpu.memory_space<vmem_shared>> -> memref<640xf32, #tpu.memory_space<vmem_shared>>
      tpu.enqueue_dma source(%dma_start3A_74 : memref<640xf32, #tpu.memory_space<vmem_shared>>) target(%arg8 : memref<640xf32, #tpu.memory_space<vmem>>) target_semaphore(%run_scoped3A : memref<!tpu.dma_semaphore, #tpu.memory_space<semaphore_mem>>)
      %dma_wait3A_75 = arith.constant 0 : i32
      %dma_wait3A_76 = tpu.memref_slice %arg10[%rem3A_27, %dma_wait3A_75] : memref<16x640xf32, #tpu.memory_space<vmem_shared>> -> memref<1x640xf32, #tpu.memory_space<vmem_shared>>
      %dma_wait3A_77 = tpu.memref_squeeze %dma_wait3A_76 : memref<1x640xf32, #tpu.memory_space<vmem_shared>> -> memref<640xf32, #tpu.memory_space<vmem_shared>>
      %dma_wait3A_78 = arith.constant 0 : i32
      %dma_wait3A_79 = tpu.memref_slice %arg10[%rem3A_27, %dma_wait3A_78] : memref<16x640xf32, #tpu.memory_space<vmem_shared>> -> memref<1x640xf32, #tpu.memory_space<vmem_shared>>
      %dma_wait3A_80 = tpu.memref_squeeze %dma_wait3A_79 : memref<1x640xf32, #tpu.memory_space<vmem_shared>> -> memref<640xf32, #tpu.memory_space<vmem_shared>>
      tpu.wait_dma2 semaphore(%run_scoped3A : memref<!tpu.dma_semaphore, #tpu.memory_space<semaphore_mem>>) src(%dma_wait3A_80 : memref<640xf32, #tpu.memory_space<vmem_shared>>) dst(%arg8 : memref<640xf32, #tpu.memory_space<vmem>>)
      tpu.yield
    }) : () -> ()
    %scan3A_55 = arith.constant 0 : i32
    %scan3A_56 = arith.constant 0 : i32
    %scan3A_57 = arith.constant 40 : i32
    %scan3A_58 = arith.addi %scan3A_56, %scan3A_57 : i32
    %scan3A_59 = arith.constant 4 : i32
    %scan3A_60 = scf.for %scan3A_69 = %scan3A_56 to %scan3A_58 step %scan3A_59 iter_args(%scan3A_70 = %scan3A_55) -> (i32)  : i32 {
      %mul3A_71 = arith.constant 16 : i32
      %mul3A_72 = arith.muli %mul3A_71, %scan3A_69 : i32
      %get3A = arith.index_cast %mul3A_72 : i32 to index
      %get3A_73 = tpu.vector_load %arg7[%get3A] {strides = array<i32>} : memref<640xf32, #tpu.memory_space<vmem>>, vector<16xf32>,
      %get3A_74 = arith.index_cast %mul3A_72 : i32 to index
      %get3A_75 = tpu.vector_load %arg8[%get3A_74] {strides = array<i32>} : memref<640xf32, #tpu.memory_space<vmem>>, vector<16xf32>,
      %add3A_76 = arith.addf %get3A_73, %get3A_75 : vector<16xf32>
      %swap3A = arith.index_cast %mul3A_72 : i32 to index
      %swap3A_77 = tpu.vector_load %arg7[%swap3A] {strides = array<i32>} : memref<640xf32, #tpu.memory_space<vmem>>, vector<16xf32>,
      tpu.vector_store %arg7[%swap3A], %add3A_76 {strides = array<i32>} : memref<640xf32, #tpu.memory_space<vmem>>, vector<16xf32>,
      %scan3A_78 = arith.constant 0 : i32
      %scan3A_79 = arith.constant 1 : i32
      %scan3A_80 = arith.addi %scan3A_69, %scan3A_79 : i32
      %mul3A_81 = arith.constant 16 : i32
      %mul3A_82 = arith.muli %mul3A_81, %scan3A_80 : i32
      %get3A_83 = arith.index_cast %mul3A_82 : i32 to index
      %get3A_84 = tpu.vector_load %arg7[%get3A_83] {strides = array<i32>} : memref<640xf32, #tpu.memory_space<vmem>>, vector<16xf32>,
      %get3A_85 = arith.index_cast %mul3A_82 : i32 to index
      %get3A_86 = tpu.vector_load %arg8[%get3A_85] {strides = array<i32>} : memref<640xf32, #tpu.memory_space<vmem>>, vector<16xf32>,
      %add3A_87 = arith.addf %get3A_84, %get3A_86 : vector<16xf32>
      %swap3A_88 = arith.index_cast %mul3A_82 : i32 to index
      %swap3A_89 = tpu.vector_load %arg7[%swap3A_88] {strides = array<i32>} : memref<640xf32, #tpu.memory_space<vmem>>, vector<16xf32>,
      tpu.vector_store %arg7[%swap3A_88], %add3A_87 {strides = array<i32>} : memref<640xf32, #tpu.memory_space<vmem>>, vector<16xf32>,
      %scan3A_90 = arith.constant 0 : i32
      %scan3A_91 = arith.constant 2 : i32
      %scan3A_92 = arith.addi %scan3A_69, %scan3A_91 : i32
      %mul3A_93 = arith.constant 16 : i32
      %mul3A_94 = arith.muli %mul3A_93, %scan3A_92 : i32
      %get3A_95 = arith.index_cast %mul3A_94 : i32 to index
      %get3A_96 = tpu.vector_load %arg7[%get3A_95] {strides = array<i32>} : memref<640xf32, #tpu.memory_space<vmem>>, vector<16xf32>,
      %get3A_97 = arith.index_cast %mul3A_94 : i32 to index
      %get3A_98 = tpu.vector_load %arg8[%get3A_97] {strides = array<i32>} : memref<640xf32, #tpu.memory_space<vmem>>, vector<16xf32>,
      %add3A_99 = arith.addf %get3A_96, %get3A_98 : vector<16xf32>
      %swap3A_100 = arith.index_cast %mul3A_94 : i32 to index
      %swap3A_101 = tpu.vector_load %arg7[%swap3A_100] {strides = array<i32>} : memref<640xf32, #tpu.memory_space<vmem>>, vector<16xf32>,
      tpu.vector_store %arg7[%swap3A_100], %add3A_99 {strides = array<i32>} : memref<640xf32, #tpu.memory_space<vmem>>, vector<16xf32>,
      %scan3A_102 = arith.constant 0 : i32
      %scan3A_103 = arith.constant 3 : i32
      %scan3A_104 = arith.addi %scan3A_69, %scan3A_103 : i32
      %mul3A_105 = arith.constant 16 : i32
      %mul3A_106 = arith.muli %mul3A_105, %scan3A_104 : i32
      %get3A_107 = arith.index_cast %mul3A_106 : i32 to index
      %get3A_108 = tpu.vector_load %arg7[%get3A_107] {strides = array<i32>} : memref<640xf32, #tpu.memory_space<vmem>>, vector<16xf32>,
      %get3A_109 = arith.index_cast %mul3A_106 : i32 to index
      %get3A_110 = tpu.vector_load %arg8[%get3A_109] {strides = array<i32>} : memref<640xf32, #tpu.memory_space<vmem>>, vector<16xf32>,
      %add3A_111 = arith.addf %get3A_108, %get3A_110 : vector<16xf32>
      %swap3A_112 = arith.index_cast %mul3A_106 : i32 to index
      %swap3A_113 = tpu.vector_load %arg7[%swap3A_112] {strides = array<i32>} : memref<640xf32, #tpu.memory_space<vmem>>, vector<16xf32>,
      tpu.vector_store %arg7[%swap3A_112], %add3A_111 {strides = array<i32>} : memref<640xf32, #tpu.memory_space<vmem>>, vector<16xf32>,
      %scan3A_114 = arith.constant 0 : i32
      scf.yield %scan3A_114 : i32
    }
    %scan3A_61 = arith.constant 40 : i32
    %scan3A_62 = arith.constant 0 : i32
    %scan3A_63 = arith.constant 0 : i32
    %scan3A_64 = arith.constant 64 : i32
    %scan3A_65 = arith.addi %scan3A_63, %scan3A_64 : i32
    %scan3A_66 = arith.constant 4 : i32
    %scan3A_67 = scf.for %scan3A_69 = %scan3A_63 to %scan3A_65 step %scan3A_66 iter_args(%scan3A_70 = %scan3A_62) -> (i32)  : i32 {
      %mul3A_71 = arith.constant 16 : i32
      %mul3A_72 = arith.muli %mul3A_71, %scan3A_69 : i32
      %get3A = arith.index_cast %mul3A_72 : i32 to index
      %get3A_73 = tpu.vector_load %arg5[%get3A] {strides = array<i32>} : memref<1024xi32, #tpu.memory_space<vmem>>, vector<16xi32>,
      %mul3A_74 = arith.constant 16 : i32
      %mul3A_75 = arith.muli %mul3A_74, %scan3A_69 : i32
      %get3A_76 = arith.index_cast %mul3A_75 : i32 to index
      %get3A_77 = tpu.vector_load %arg6[%get3A_76] {strides = array<i32>} : memref<1024xi32, #tpu.memory_space<vmem>>, vector<16xi32>,
      %add3A_78 = arith.constant 320 : i32
      %add3A_79 = vector.broadcast %add3A_78 : i32 to vector<16xi32>
      %add3A_80 = arith.addi %get3A_77, %add3A_79 : vector<16xi32>
      %gather3A = tpu.vector_load_idx %arg7[%get3A_73] : memref<640xf32, #tpu.memory_space<vmem>>[vector<16xi32>], vector<16xf32>,
      %gather3A_81 = tpu.vector_load_idx %arg7[%add3A_80] : memref<640xf32, #tpu.memory_space<vmem>>[vector<16xi32>], vector<16xf32>,
      %add3A_82 = arith.addf %gather3A, %gather3A_81 : vector<16xf32>
      %div3A_83 = arith.constant 1.000000e+00 : f32
      %div3A_84 = vector.broadcast %div3A_83 : f32 to vector<16xf32>
      %div3A_85 = arith.divf %div3A_84, %add3A_82 : vector<16xf32>
      %mul3A_86 = arith.constant 16 : i32
      %mul3A_87 = arith.muli %mul3A_86, %scan3A_69 : i32
      %swap3A = arith.index_cast %mul3A_87 : i32 to index
      %swap3A_88 = tpu.vector_load %arg9[%swap3A] {strides = array<i32>} : memref<1024xf32, #tpu.memory_space<vmem>>, vector<16xf32>,
      tpu.vector_store %arg9[%swap3A], %div3A_85 {strides = array<i32>} : memref<1024xf32, #tpu.memory_space<vmem>>, vector<16xf32>,
      %scan3A_89 = arith.constant 0 : i32
      %scan3A_90 = arith.constant 1 : i32
      %scan3A_91 = arith.addi %scan3A_69, %scan3A_90 : i32
      %mul3A_92 = arith.constant 16 : i32
      %mul3A_93 = arith.muli %mul3A_92, %scan3A_91 : i32
      %get3A_94 = arith.index_cast %mul3A_93 : i32 to index
      %get3A_95 = tpu.vector_load %arg5[%get3A_94] {strides = array<i32>} : memref<1024xi32, #tpu.memory_space<vmem>>, vector<16xi32>,
      %mul3A_96 = arith.constant 16 : i32
      %mul3A_97 = arith.muli %mul3A_96, %scan3A_91 : i32
      %get3A_98 = arith.index_cast %mul3A_97 : i32 to index
      %get3A_99 = tpu.vector_load %arg6[%get3A_98] {strides = array<i32>} : memref<1024xi32, #tpu.memory_space<vmem>>, vector<16xi32>,
      %add3A_100 = arith.constant 320 : i32
      %add3A_101 = vector.broadcast %add3A_100 : i32 to vector<16xi32>
      %add3A_102 = arith.addi %get3A_99, %add3A_101 : vector<16xi32>
      %gather3A_103 = tpu.vector_load_idx %arg7[%get3A_95] : memref<640xf32, #tpu.memory_space<vmem>>[vector<16xi32>], vector<16xf32>,
      %gather3A_104 = tpu.vector_load_idx %arg7[%add3A_102] : memref<640xf32, #tpu.memory_space<vmem>>[vector<16xi32>], vector<16xf32>,
      %add3A_105 = arith.addf %gather3A_103, %gather3A_104 : vector<16xf32>
      %div3A_106 = arith.constant 1.000000e+00 : f32
      %div3A_107 = vector.broadcast %div3A_106 : f32 to vector<16xf32>
      %div3A_108 = arith.divf %div3A_107, %add3A_105 : vector<16xf32>
      %mul3A_109 = arith.constant 16 : i32
      %mul3A_110 = arith.muli %mul3A_109, %scan3A_91 : i32
      %swap3A_111 = arith.index_cast %mul3A_110 : i32 to index
      %swap3A_112 = tpu.vector_load %arg9[%swap3A_111] {strides = array<i32>} : memref<1024xf32, #tpu.memory_space<vmem>>, vector<16xf32>,
      tpu.vector_store %arg9[%swap3A_111], %div3A_108 {strides = array<i32>} : memref<1024xf32, #tpu.memory_space<vmem>>, vector<16xf32>,
      %scan3A_113 = arith.constant 0 : i32
      %scan3A_114 = arith.constant 2 : i32
      %scan3A_115 = arith.addi %scan3A_69, %scan3A_114 : i32
      %mul3A_116 = arith.constant 16 : i32
      %mul3A_117 = arith.muli %mul3A_116, %scan3A_115 : i32
      %get3A_118 = arith.index_cast %mul3A_117 : i32 to index
      %get3A_119 = tpu.vector_load %arg5[%get3A_118] {strides = array<i32>} : memref<1024xi32, #tpu.memory_space<vmem>>, vector<16xi32>,
      %mul3A_120 = arith.constant 16 : i32
      %mul3A_121 = arith.muli %mul3A_120, %scan3A_115 : i32
      %get3A_122 = arith.index_cast %mul3A_121 : i32 to index
      %get3A_123 = tpu.vector_load %arg6[%get3A_122] {strides = array<i32>} : memref<1024xi32, #tpu.memory_space<vmem>>, vector<16xi32>,
      %add3A_124 = arith.constant 320 : i32
      %add3A_125 = vector.broadcast %add3A_124 : i32 to vector<16xi32>
      %add3A_126 = arith.addi %get3A_123, %add3A_125 : vector<16xi32>
      %gather3A_127 = tpu.vector_load_idx %arg7[%get3A_119] : memref<640xf32, #tpu.memory_space<vmem>>[vector<16xi32>], vector<16xf32>,
      %gather3A_128 = tpu.vector_load_idx %arg7[%add3A_126] : memref<640xf32, #tpu.memory_space<vmem>>[vector<16xi32>], vector<16xf32>,
      %add3A_129 = arith.addf %gather3A_127, %gather3A_128 : vector<16xf32>
      %div3A_130 = arith.constant 1.000000e+00 : f32
      %div3A_131 = vector.broadcast %div3A_130 : f32 to vector<16xf32>
      %div3A_132 = arith.divf %div3A_131, %add3A_129 : vector<16xf32>
      %mul3A_133 = arith.constant 16 : i32
      %mul3A_134 = arith.muli %mul3A_133, %scan3A_115 : i32
      %swap3A_135 = arith.index_cast %mul3A_134 : i32 to index
      %swap3A_136 = tpu.vector_load %arg9[%swap3A_135] {strides = array<i32>} : memref<1024xf32, #tpu.memory_space<vmem>>, vector<16xf32>,
      tpu.vector_store %arg9[%swap3A_135], %div3A_132 {strides = array<i32>} : memref<1024xf32, #tpu.memory_space<vmem>>, vector<16xf32>,
      %scan3A_137 = arith.constant 0 : i32
      %scan3A_138 = arith.constant 3 : i32
      %scan3A_139 = arith.addi %scan3A_69, %scan3A_138 : i32
      %mul3A_140 = arith.constant 16 : i32
      %mul3A_141 = arith.muli %mul3A_140, %scan3A_139 : i32
      %get3A_142 = arith.index_cast %mul3A_141 : i32 to index
      %get3A_143 = tpu.vector_load %arg5[%get3A_142] {strides = array<i32>} : memref<1024xi32, #tpu.memory_space<vmem>>, vector<16xi32>,
      %mul3A_144 = arith.constant 16 : i32
      %mul3A_145 = arith.muli %mul3A_144, %scan3A_139 : i32
      %get3A_146 = arith.index_cast %mul3A_145 : i32 to index
      %get3A_147 = tpu.vector_load %arg6[%get3A_146] {strides = array<i32>} : memref<1024xi32, #tpu.memory_space<vmem>>, vector<16xi32>,
      %add3A_148 = arith.constant 320 : i32
      %add3A_149 = vector.broadcast %add3A_148 : i32 to vector<16xi32>
      %add3A_150 = arith.addi %get3A_147, %add3A_149 : vector<16xi32>
      %gather3A_151 = tpu.vector_load_idx %arg7[%get3A_143] : memref<640xf32, #tpu.memory_space<vmem>>[vector<16xi32>], vector<16xf32>,
      %gather3A_152 = tpu.vector_load_idx %arg7[%add3A_150] : memref<640xf32, #tpu.memory_space<vmem>>[vector<16xi32>], vector<16xf32>,
      %add3A_153 = arith.addf %gather3A_151, %gather3A_152 : vector<16xf32>
      %div3A_154 = arith.constant 1.000000e+00 : f32
      %div3A_155 = vector.broadcast %div3A_154 : f32 to vector<16xf32>
      %div3A_156 = arith.divf %div3A_155, %add3A_153 : vector<16xf32>
      %mul3A_157 = arith.constant 16 : i32
      %mul3A_158 = arith.muli %mul3A_157, %scan3A_139 : i32
      %swap3A_159 = arith.index_cast %mul3A_158 : i32 to index
      %swap3A_160 = tpu.vector_load %arg9[%swap3A_159] {strides = array<i32>} : memref<1024xf32, #tpu.memory_space<vmem>>, vector<16xf32>,
      tpu.vector_store %arg9[%swap3A_159], %div3A_156 {strides = array<i32>} : memref<1024xf32, #tpu.memory_space<vmem>>, vector<16xf32>,
      %scan3A_161 = arith.constant 0 : i32
      scf.yield %scan3A_161 : i32
    }
    %scan3A_68 = arith.constant 64 : i32
    "tpu.region"() ({
      %run_scoped3A = tpu.sem_alloc : memref<!tpu.dma_semaphore, #tpu.memory_space<semaphore_mem>>
      %dma_start3A_69 = tpu.memref_slice %arg4[%add3A, %mul3A_23] : memref<16x2048xf32, #tpu.memory_space<hbm>> -> memref<1x1024xf32, #tpu.memory_space<hbm>>
      %dma_start3A_70 = tpu.memref_squeeze %dma_start3A_69 : memref<1x1024xf32, #tpu.memory_space<hbm>> -> memref<1024xf32, #tpu.memory_space<hbm>>
      %dma_start3A_71 = tpu.memref_slice %arg4[%add3A, %mul3A_23] : memref<16x2048xf32, #tpu.memory_space<hbm>> -> memref<1x1024xf32, #tpu.memory_space<hbm>>
      %dma_start3A_72 = tpu.memref_squeeze %dma_start3A_71 : memref<1x1024xf32, #tpu.memory_space<hbm>> -> memref<1024xf32, #tpu.memory_space<hbm>>
      tpu.enqueue_dma source(%arg9 : memref<1024xf32, #tpu.memory_space<vmem>>) target(%dma_start3A_72 : memref<1024xf32, #tpu.memory_space<hbm>>) target_semaphore(%run_scoped3A : memref<!tpu.dma_semaphore, #tpu.memory_space<semaphore_mem>>)
      %dma_wait3A_73 = tpu.memref_slice %arg4[%add3A, %mul3A_23] : memref<16x2048xf32, #tpu.memory_space<hbm>> -> memref<1x1024xf32, #tpu.memory_space<hbm>>
      %dma_wait3A_74 = tpu.memref_squeeze %dma_wait3A_73 : memref<1x1024xf32, #tpu.memory_space<hbm>> -> memref<1024xf32, #tpu.memory_space<hbm>>
      %dma_wait3A_75 = tpu.memref_slice %arg4[%add3A, %mul3A_23] : memref<16x2048xf32, #tpu.memory_space<hbm>> -> memref<1x1024xf32, #tpu.memory_space<hbm>>
      %dma_wait3A_76 = tpu.memref_squeeze %dma_wait3A_75 : memref<1x1024xf32, #tpu.memory_space<hbm>> -> memref<1024xf32, #tpu.memory_space<hbm>>
      tpu.wait_dma2 semaphore(%run_scoped3A : memref<!tpu.dma_semaphore, #tpu.memory_space<semaphore_mem>>) src(%arg9 : memref<1024xf32, #tpu.memory_space<vmem>>) dst(%dma_wait3A_76 : memref<1024xf32, #tpu.memory_space<hbm>>)
      tpu.yield
    }) : () -> ()
    return
  }
}

module attributes {stable_mosaic.version = 14 : i64} {
  func.func @body(%arg0: i32, %arg1: memref<1x1x2048x1024xf32, #tpu.memory_space<vmem>>, %arg2: memref<1x1x2048xf32, #tpu.memory_space<vmem>>, %arg3: memref<2x320xf32, #tpu.memory_space<vmem>>, %arg4: memref<1x1x2048xi32, #tpu.memory_space<vmem>>, %arg5: memref<1x1x2048xi32, #tpu.memory_space<vmem>>, %arg6: memref<1x1x1024xf32, #tpu.memory_space<vmem>>) attributes {dimension_semantics = [#tpu.dimension_semantics<arbitrary>], iteration_bounds = array<i64: 16>, scalar_prefetch = 0 : i64, scratch_operands = 0 : i64, tpu.core_type = #tpu.core_type<tc>, window_params = [{transform_indices = @transform_0, window_bounds = array<i64: 1, 1, 2048, 1024>}, {transform_indices = @transform_1, window_bounds = array<i64: 1, 1, 2048>}, {pipeline_mode = #tpu.pipeline_mode<synchronous>, transform_indices = @transform_2, window_bounds = array<i64: 2, 320>}, {transform_indices = @transform_3, window_bounds = array<i64: 1, 1, 2048>}, {transform_indices = @transform_4, window_bounds = array<i64: 1, 1, 2048>}, {transform_indices = @transform_5, window_bounds = array<i64: 1, 1, 1024>}]} {
    %get3A = arith.constant 0 : index
    %get3A_0 = arith.constant 0 : index
    %get3A_1 = arith.constant 0 : index
    %get3A_2 = vector.load %arg2[%get3A, %get3A_0, %get3A_1] : memref<1x1x2048xf32, #tpu.memory_space<vmem>>, vector<1x1x2048xf32>
    %get3A_3 = vector.shape_cast %get3A_2 : vector<1x1x2048xf32> to vector<1x2048xf32>
    %get3A_4 = arith.constant 0 : index
    %get3A_5 = arith.constant 0 : index
    %get3A_6 = arith.constant 0 : index
    %get3A_7 = vector.load %arg4[%get3A_4, %get3A_5, %get3A_6] : memref<1x1x2048xi32, #tpu.memory_space<vmem>>, vector<1x1x2048xi32>
    %get3A_8 = vector.shape_cast %get3A_7 : vector<1x1x2048xi32> to vector<1x2048xi32>
    %get3A_9 = arith.constant 0 : index
    %get3A_10 = arith.constant 0 : index
    %get3A_11 = arith.constant 0 : index
    %get3A_12 = vector.load %arg5[%get3A_9, %get3A_10, %get3A_11] : memref<1x1x2048xi32, #tpu.memory_space<vmem>>, vector<1x1x2048xi32>
    %get3A_13 = vector.shape_cast %get3A_12 : vector<1x1x2048xi32> to vector<1x2048xi32>
    %iota3A = tpu.iota {dimensions = array<i32: 0>} : vector<320x2048xi32>
    %eq3A = vector.broadcast %get3A_8 : vector<1x2048xi32> to vector<320x2048xi32>
    %eq3A_14 = arith.cmpi eq, %iota3A, %eq3A : vector<320x2048xi32>
    %jit3A = arith.constant 1.000000e+00 : f32
    %jit3A_15 = arith.constant 0.000000e+00 : f32
    %broadcast_in_dim3A = vector.broadcast %jit3A : f32 to vector<320x2048xf32>
    %broadcast_in_dim3A_16 = vector.broadcast %jit3A_15 : f32 to vector<320x2048xf32>
    %select_n3A = arith.select %eq3A_14, %broadcast_in_dim3A, %broadcast_in_dim3A_16 : vector<320x2048xi1>, vector<320x2048xf32>
    %eq3A_17 = vector.broadcast %get3A_13 : vector<1x2048xi32> to vector<320x2048xi32>
    %eq3A_18 = arith.cmpi eq, %iota3A, %eq3A_17 : vector<320x2048xi32>
    %jit3A_19 = arith.constant 1.000000e+00 : f32
    %jit3A_20 = arith.constant 0.000000e+00 : f32
    %broadcast_in_dim3A_21 = vector.broadcast %jit3A_19 : f32 to vector<320x2048xf32>
    %broadcast_in_dim3A_22 = vector.broadcast %jit3A_20 : f32 to vector<320x2048xf32>
    %select_n3A_23 = arith.select %eq3A_18, %broadcast_in_dim3A_21, %broadcast_in_dim3A_22 : vector<320x2048xi1>, vector<320x2048xf32>
    %get3A_24 = arith.constant 0 : index
    %get3A_25 = arith.constant 0 : index
    %get3A_26 = vector.load %arg3[%get3A_24, %get3A_25] : memref<2x320xf32, #tpu.memory_space<vmem>>, vector<1x320xf32>
    %dot_general3A = arith.constant dense<0.000000e+00> : vector<1x2048xf32>
    %dot_general3A_27 = tpu.matmul %get3A_26, %select_n3A, %dot_general3A {dimension_numbers = #tpu.dot_dimension_numbers<[1], [0], [0], [1], [0, 0, 1, 1], [], []>, transpose_lhs_hint = false} : vector<1x320xf32>, vector<320x2048xf32>, vector<1x2048xf32> -> vector<1x2048xf32>
    %get3A_28 = arith.constant 1 : index
    %get3A_29 = arith.constant 0 : index
    %get3A_30 = vector.load %arg3[%get3A_28, %get3A_29] : memref<2x320xf32, #tpu.memory_space<vmem>>, vector<1x320xf32>
    %dot_general3A_31 = arith.constant dense<0.000000e+00> : vector<1x2048xf32>
    %dot_general3A_32 = tpu.matmul %get3A_30, %select_n3A_23, %dot_general3A_31 {dimension_numbers = #tpu.dot_dimension_numbers<[1], [0], [0], [1], [0, 0, 1, 1], [], []>, transpose_lhs_hint = false} : vector<1x320xf32>, vector<320x2048xf32>, vector<1x2048xf32> -> vector<1x2048xf32>
    %add3A = arith.addf %dot_general3A_27, %dot_general3A_32 : vector<1x2048xf32>
    %div3A = arith.constant 1.000000e+00 : f32
    %div3A_33 = vector.broadcast %div3A : f32 to vector<1x2048xf32>
    %div3A_34 = arith.divf %div3A_33, %add3A : vector<1x2048xf32>
    %mul3A = arith.mulf %get3A_3, %div3A_34 : vector<1x2048xf32>
    %reduce_sum3A = vector.shape_cast %get3A_3 : vector<1x2048xf32> to vector<1x1x2048xf32>
    %reduce_sum3A_35 = arith.constant dense<0.000000e+00> : vector<1xf32>
    %reduce_sum3A_36 = vector.multi_reduction <add>, %reduce_sum3A, %reduce_sum3A_35 [1, 2] : vector<1x1x2048xf32> to vector<1xf32>
    %reduce_sum3A_37 = vector.shape_cast %reduce_sum3A_36 : vector<1xf32> to vector<1x1x1xf32>
    %reduce_sum3A_38 = vector.extract %reduce_sum3A_37[0, 0, 0] : f32 from vector<1x1x1xf32>
    %reduce_sum3A_39 = vector.shape_cast %div3A_34 : vector<1x2048xf32> to vector<1x1x2048xf32>
    %reduce_sum3A_40 = arith.constant dense<0.000000e+00> : vector<1xf32>
    %reduce_sum3A_41 = vector.multi_reduction <add>, %reduce_sum3A_39, %reduce_sum3A_40 [1, 2] : vector<1x1x2048xf32> to vector<1xf32>
    %reduce_sum3A_42 = vector.shape_cast %reduce_sum3A_41 : vector<1xf32> to vector<1x1x1xf32>
    %reduce_sum3A_43 = vector.extract %reduce_sum3A_42[0, 0, 0] : f32 from vector<1x1x1xf32>
    %mul3A_44 = arith.mulf %reduce_sum3A_38, %reduce_sum3A_43 : f32
    %div3A_45 = arith.constant 1.000000e+00 : f32
    %div3A_46 = arith.divf %div3A_45, %mul3A_44 : f32
    %mul3A_47 = vector.broadcast %div3A_46 : f32 to vector<1x2048xf32>
    %mul3A_48 = arith.mulf %mul3A, %mul3A_47 : vector<1x2048xf32>
    %exp3A = math.exp %mul3A_48 : vector<1x2048xf32>
    %reduce_sum3A_49 = vector.shape_cast %exp3A : vector<1x2048xf32> to vector<1x1x2048xf32>
    %reduce_sum3A_50 = arith.constant dense<0.000000e+00> : vector<1xf32>
    %reduce_sum3A_51 = vector.multi_reduction <add>, %reduce_sum3A_49, %reduce_sum3A_50 [1, 2] : vector<1x1x2048xf32> to vector<1xf32>
    %reduce_sum3A_52 = vector.shape_cast %reduce_sum3A_51 : vector<1xf32> to vector<1x1x1xf32>
    %reduce_sum3A_53 = vector.extract %reduce_sum3A_52[0, 0, 0] : f32 from vector<1x1x1xf32>
    %div3A_54 = arith.constant 1.000000e+00 : f32
    %div3A_55 = arith.divf %div3A_54, %reduce_sum3A_53 : f32
    %mul3A_56 = vector.broadcast %div3A_55 : f32 to vector<1x2048xf32>
    %mul3A_57 = arith.mulf %exp3A, %mul3A_56 : vector<1x2048xf32>
    %get3A_58 = arith.constant 0 : index
    %get3A_59 = arith.constant 0 : index
    %get3A_60 = arith.constant 0 : index
    %get3A_61 = arith.constant 0 : index
    %get3A_62 = vector.load %arg1[%get3A_58, %get3A_59, %get3A_60, %get3A_61] : memref<1x1x2048x1024xf32, #tpu.memory_space<vmem>>, vector<1x1x2048x1024xf32>
    %get3A_63 = vector.shape_cast %get3A_62 : vector<1x1x2048x1024xf32> to vector<2048x1024xf32>
    %dot_general3A_64 = arith.constant dense<0.000000e+00> : vector<1x1024xf32>
    %dot_general3A_65 = tpu.matmul %mul3A_57, %get3A_63, %dot_general3A_64 {dimension_numbers = #tpu.dot_dimension_numbers<[1], [0], [0], [1], [0, 0, 1, 1], [], []>, transpose_lhs_hint = false} : vector<1x2048xf32>, vector<2048x1024xf32>, vector<1x1024xf32> -> vector<1x1024xf32>
    %broadcast_in_dim3A_66 = vector.shape_cast %dot_general3A_65 : vector<1x1024xf32> to vector<1x1x1024xf32>
    %swap3A = arith.constant 0 : index
    %swap3A_67 = arith.constant 0 : index
    %swap3A_68 = arith.constant 0 : index
    %swap3A_69 = vector.load %arg6[%swap3A, %swap3A_67, %swap3A_68] : memref<1x1x1024xf32, #tpu.memory_space<vmem>>, vector<1x1x1024xf32>
    tpu.vector_store %arg6[%swap3A, %swap3A_67, %swap3A_68], %broadcast_in_dim3A_66 {strides = array<i32>} : memref<1x1x1024xf32, #tpu.memory_space<vmem>>, vector<1x1x1024xf32>,
    return
  }
  func.func @transform_0(%arg0: i32) -> (i32, i32, i32, i32) {
    %c1_i32 = arith.constant 1 : i32
    %c0_i32 = arith.constant 0 : i32
    %c0_i32_0 = arith.constant 0 : i32
    %c0_i32_1 = arith.constant 0 : i32
    return %arg0, %c1_i32, %c0_i32, %c0_i32_0 : i32, i32, i32, i32
  }
  func.func @transform_1(%arg0: i32) -> (i32, i32, i32) {
    %c0_i32 = arith.constant 0 : i32
    %c0_i32_0 = arith.constant 0 : i32
    %c0_i32_1 = arith.constant 0 : i32
    return %arg0, %c0_i32, %c0_i32_0 : i32, i32, i32
  }
  func.func @transform_2(%arg0: i32) -> (i32, i32) {
    %c0_i32 = arith.constant 0 : i32
    %c0_i32_0 = arith.constant 0 : i32
    %c0_i32_1 = arith.constant 0 : i32
    return %c0_i32, %c0_i32_0 : i32, i32
  }
  func.func @transform_3(%arg0: i32) -> (i32, i32, i32) {
    %c0_i32 = arith.constant 0 : i32
    %c0_i32_0 = arith.constant 0 : i32
    %c0_i32_1 = arith.constant 0 : i32
    return %arg0, %c0_i32, %c0_i32_0 : i32, i32, i32
  }
  func.func @transform_4(%arg0: i32) -> (i32, i32, i32) {
    %c0_i32 = arith.constant 0 : i32
    %c0_i32_0 = arith.constant 0 : i32
    %c0_i32_1 = arith.constant 0 : i32
    return %arg0, %c0_i32, %c0_i32_0 : i32, i32, i32
  }
  func.func @transform_5(%arg0: i32) -> (i32, i32, i32) {
    %c0_i32 = arith.constant 0 : i32
    %c0_i32_0 = arith.constant 0 : i32
    %c0_i32_1 = arith.constant 0 : i32
    return %arg0, %c0_i32, %c0_i32_0 : i32, i32, i32
  }
}

module attributes {stable_mosaic.version = 14 : i64} {
  func.func @body(%arg0: memref<320x320xf32, #tpu.memory_space<vmem>>, %arg1: memref<2x320xf32, #tpu.memory_space<vmem>>) attributes {dimension_semantics = [], scalar_prefetch = 0 : i64, scratch_operands = 0 : i64, tpu.core_type = #tpu.core_type<tc>} {
    %get3A = arith.constant 0 : index
    %get3A_0 = arith.constant 0 : index
    %get3A_1 = vector.load %arg0[%get3A, %get3A_0] : memref<320x320xf32, #tpu.memory_space<vmem>>, vector<320x320xf32>
    %reduce_sum3A = arith.constant dense<0.000000e+00> : vector<320xf32>
    %reduce_sum3A_2 = vector.multi_reduction <add>, %get3A_1, %reduce_sum3A [1] : vector<320x320xf32> to vector<320xf32>
    %reduce_sum3A_3 = arith.constant dense<0.000000e+00> : vector<320xf32>
    %reduce_sum3A_4 = vector.multi_reduction <add>, %get3A_1, %reduce_sum3A_3 [0] : vector<320x320xf32> to vector<320xf32>
    %stack3A = vector.shape_cast %reduce_sum3A_2 : vector<320xf32> to vector<1x320xf32>
    %stack3A_5 = vector.shape_cast %reduce_sum3A_4 : vector<320xf32> to vector<1x320xf32>
    %stack3A_6 = tpu.concatenate %stack3A, %stack3A_5 in 0 : vector<1x320xf32>, vector<1x320xf32> -> vector<2x320xf32>
    %swap3A = arith.constant 0 : index
    %swap3A_7 = arith.constant 0 : index
    %swap3A_8 = vector.load %arg1[%swap3A, %swap3A_7] : memref<2x320xf32, #tpu.memory_space<vmem>>, vector<2x320xf32>
    tpu.vector_store %arg1[%swap3A, %swap3A_7], %stack3A_6 {strides = array<i32>} : memref<2x320xf32, #tpu.memory_space<vmem>>, vector<2x320xf32>,
    return
  }
}

</mosaic_0001>

<sc_bundles>
// kernel: kernel.5.cloned.1.call-start
scs
__scs_entry_jumppad:
0x0: {  	(pc) =	sbr.rel $0x88, $3  }
0x1: {  	(tag) =	ssettag $0x0;
	lr =	simm.s32 $0x1  }
0x2: {  	[smem:$0x3F9E] =	sst lr;
	_ =	strace $0xD0000000  }
0x3: {  	_ = 	snop  }
0x4: {  	_ = 	snop  }
0x5: {  	_ = 	snop  }
0x6: {  	_ = 	snop  }
0x7: {  	_ = 	snop  }
__scs_overlays_trampoline_lowered:
0x8: {  	[smem:$0x3FAD] =	sst s0  }
0x9: {  	[smem:$0x3FAE] =	sst s1  }
0xa: {  	[smem:$0x3FAF] =	sst s2  }
0xb: {  	[smem:$0x3FB0] =	sst s3  }
0xc: {  	[smem:$0x3FB1] =	sst s4  }
0xd: {  	[smem:$0x3FB2] =	sst s5  }
0xe: {  	[smem:$0x3FB3] =	sst s6  }
0xf: {  	[smem:$0x3FB4] =	sst s7  }
0x10: {  	[smem:$0x3FB5] =	sst s8  }
0x11: {  	[smem:$0x3FB6] =	sst s9;
	s0 =	simm.s32 @!p0 $0x0  }
0x12: {  	s1 =	sld [smem:$0x3F9C];
	s0 =	simm.s32 @p0 $0x1  }
0x13: {  	[smem:$0x3FB7] =	sst s0;
	s0 =	simm.s32 @!p1 $0x0  }
0x14: {  	s2 =	sld [smem:$0x3F9B];
	s0 =	simm.s32 @p1 $0x1  }
0x15: {  	[smem:$0x3FB8] =	sst s0;
	s0 =	simm.s32 @!p2 $0x0  }
0x16: {  	s3 =	sld [smem:$0x3FDB];
	s0 =	simm.s32 @p2 $0x1  }
0x17: {  	s4 =	simm.s32 $0x1BF5;
	[smem:$0x3FBA] =	sst s0  }
0x18: {  	s0 =	sld [smem:$0x3F9D];
	_ =	swait.ge [sflag:s4], $0x0  }
0x19: {  	s7 =	sld [smem:$0x3F9E]  }
0x1a: {  	s8 =	sadd.s32 $0xFFFFE003, lr  }
0x1b: {  	s9 =	sadd.s32 $0xFFFFFEF7, lr;
	s5 =	simm.s32 $0xFFFFFFFF;
	p2 =	slt.u32 s8, $0xFFFFF086  }
0x1c: {  	p1 =	slt.u32 s9, $0xF7A;
	s5 =	simm.s32 @!p2 $0x0  }
0x1d: {  	s5 =	simm.s32 @p1 $0x1;
	p0 =	seq.s32 s7, s2  }
0x1e: {  	s7 =	smul.u32 @!p0 $0xF7A, s2;
	p2 =	seq.s32 @!p0 s5, $0x0  }
0x1f: {  	s9 =	smul.u32 $0xF7A, s1;
	s8 =	simm.s32 @!p0 $0x1BF5;
	p2 =	por !p2, p0  }
0x20: {  	[sflag:s8] =	ssyncset.s32 @!p0 $0xFFFFF086;
	s6 =	sadd.s32 @!p0 s3, s7;
	s7 =	simm.s32 @!p0 $0x108  }
0x21: {  	s3 =	sadd.s32 s3, s9;
	s6 =	sadd.s32 @!p0 $0x88, s6;
	s7 =	simm.s32 @p2 $0x1082  }
0x22: {  	[simem:s7], [sflag:s8] =	dma.local @!p0 [hbm:s6], $0xF7A  }
0x23: {  	s9 =	sor.u32 $0xD0000000, s2;
	s6 =	simm.s32 $0x108;
	_ =	swait.ge @!p0 [sflag:s8], $0x0  }
0x24: {  	s3 =	sadd.s32 $0x88, s3;
	s6 =	simm.s32 @!p1 $0x1082;
	[sflag:s4] =	ssyncset.s32 $0xFFFFF086  }
0x25: {  	[simem:s6], [sflag:s4] =	dma.local [hbm:s3], $0xF7A  }
0x26: {  	[smem:$0x3F9E] =	sst s1;
	(tag) =	ssettag s2;
	_ =	strace s9  }
0x27: {  	s1 =	sld [smem:$0x3FAE]  }
0x28: {  	s2 =	sld [smem:$0x3FAF]  }
0x29: {  	s4 =	sld [smem:$0x3FB1]  }
0x2a: {  	p0 =	seq.s32 s5, $0x0;
	s5 =	sld [smem:$0x3FB2]  }
0x2b: {  	s6 =	sld [smem:$0x3FB3]  }
0x2c: {  	s7 =	sld [smem:$0x3FB4]  }
0x2d: {  	s3 =	simm.s32 $0x108;
	s8 =	sld [smem:$0x3FB5]  }
0x2e: {  	s3 =	simm.s32 @!p0 $0x1082;
	s9 =	sld [smem:$0x3FB6]  }
0x2f: {  	lr =	sadd.s32 s0, s3;
	s0 =	sld [smem:$0x3FAD]  }
0x30: {  	s3 =	sld [smem:$0x3FB0]  }
0x31: {  	[smem:$0x3FB9] =	sst s10  }
0x32: {  	s10 =	sld [smem:$0x3FB7];
	_ =	sdelay $0x3  }
0x33: {  	p0 =	seq.s32 s10, $0x1;
	s10 =	sld [smem:$0x3FB9];
	_ =	sdelay $0x3  }
0x34: {  	[smem:$0x3FB9] =	sst s10  }
0x35: {  	s10 =	sld [smem:$0x3FB8];
	_ =	sdelay $0x3  }
0x36: {  	p1 =	seq.s32 s10, $0x1;
	s10 =	sld [smem:$0x3FB9];
	_ =	sdelay $0x3  }
0x37: {  	[smem:$0x3FB9] =	sst s10  }
0x38: {  	s10 =	sld [smem:$0x3FBA]  }
0x39: {  	_ = 	snop;
	(pc) =	sbr.ind lr, $3  }
0x3a: {  	_ = 	snop  }
0x3b: {  	_ = 	snop  }
0x3c: {  	p2 =	seq.s32 s10, $0x1;
	s10 =	sld [smem:$0x3FB9]  }
0x3d: {  	_ =	shalt  }
0x3e: {  	_ =	shalt  }
0x3f: {  	_ =	shalt  }
0x40: {  	_ =	shalt  }
0x41: {  	_ =	shalt  }
0x42: {  	_ =	shalt  }
0x43: {  	_ =	shalt  }
0x44: {  	_ =	shalt  }
0x45: {  	_ =	shalt  }
0x46: {  	_ =	shalt  }
0x47: {  	_ =	shalt  }
0x48: {  	_ =	shalt  }
0x49: {  	_ =	shalt  }
0x4a: {  	_ =	shalt  }
0x4b: {  	_ =	shalt  }
0x4c: {  	_ =	shalt  }
0x4d: {  	_ =	shalt  }
0x4e: {  	_ =	shalt  }
0x4f: {  	_ =	shalt  }
0x50: {  	_ =	shalt  }
0x51: {  	_ =	shalt  }
0x52: {  	_ =	shalt  }
0x53: {  	_ =	shalt  }
0x54: {  	_ =	shalt  }
0x55: {  	_ =	shalt  }
0x56: {  	_ =	shalt  }
0x57: {  	_ =	shalt  }
0x58: {  	_ =	shalt  }
0x59: {  	_ =	shalt  }
0x5a: {  	_ =	shalt  }
0x5b: {  	_ =	shalt  }
0x5c: {  	_ =	shalt  }
0x5d: {  	_ =	shalt  }
0x5e: {  	_ =	shalt  }
0x5f: {  	_ =	shalt  }
0x60: {  	_ =	shalt  }
0x61: {  	_ =	shalt  }
0x62: {  	_ =	shalt  }
0x63: {  	_ =	shalt  }
0x64: {  	_ =	shalt  }
0x65: {  	_ =	shalt  }
0x66: {  	_ =	shalt  }
0x67: {  	_ =	shalt  }
0x68: {  	_ =	shalt  }
0x69: {  	_ =	shalt  }
0x6a: {  	_ =	shalt  }
0x6b: {  	_ =	shalt  }
0x6c: {  	_ =	shalt  }
0x6d: {  	_ =	shalt  }
0x6e: {  	_ =	shalt  }
0x6f: {  	_ =	shalt  }
0x70: {  	_ =	shalt  }
0x71: {  	_ =	shalt  }
0x72: {  	_ =	shalt  }
0x73: {  	_ =	shalt  }
0x74: {  	_ =	shalt  }
0x75: {  	_ =	shalt  }
0x76: {  	_ =	shalt  }
0x77: {  	_ =	shalt  }
0x78: {  	_ =	shalt  }
0x79: {  	_ =	shalt  }
0x7a: {  	_ =	shalt  }
0x7b: {  	_ =	shalt  }
0x7c: {  	_ =	shalt  }
0x7d: {  	_ =	shalt  }
0x7e: {  	_ =	shalt  }
0x7f: {  	_ =	shalt  }
0x80: {  	_ =	shalt  }
0x81: {  	_ =	shalt  }
0x82: {  	_ =	shalt  }
0x83: {  	_ =	shalt  }
0x84: {  	_ =	shalt  }
0x85: {  	_ =	shalt  }
0x86: {  	_ =	shalt  }
0x87: {  	_ =	shalt  }
.Lfunc_end0:
.L_simem_size_0:
called_computation_lowered:
.L_overlay_start_0:
0x88: {  	s2 =	sld [smem:$0x3FD9]  }
0x89: {  	s3 =	sld [smem:$0x3FFE];
	_ =	sdelay $0x1  }
0x8a: {  	s1 =	srdreg.scid  }
0x8b: {  	s0 =	sand.u32 $0x1, s1  }
0x8c: {  	s16 =	sshll.u32 s0, $0xA;
	s2 =	sadd.s32 s3, s2  }
0x8d: {  	s2 =	sadd.s32 s2, s16  }
0x8e: {  	[smem:$0x3FC5] =	sst s2  }
0x8f: {  	_ = 	snop  }
0x90: {  	(tm) =	ssettm $0x1  }
0x91: {  	s17 =	sld [smem:$0x3FFB];
	_ =	sdelay $0x3  }
0x92: {  	_ =	strace s17  }
0x93: {  	s2 =	sld [smem:$0x3FFC];
	_ =	sdelay $0x3  }
0x94: {  	_ =	strace s2  }
0x95: {  	s2 =	sld [smem:$0x3FFD];
	_ =	sdelay $0x3  }
0x96: {  	_ =	strace s2  }
0x97: {  	_ =	strace $0x8FFFFFFF  }
0x98: {  	s18 =	sld [smem:$0x3FDB];
	_ =	sdelay $0x1  }
0x99: {  	s19 =	simm.s32 $_scs_section_size  }
0x9a: {  	s4 =	simm.s32 $_size__tile_overlayer_lowered;
	s5 =	simm.s32 $_tile_overlayer_lowered  }
0x9b: {  	s22 =	simm.s32 $0x1BFF;
	s21 =	sshll.u32 s5, $0x1;
	s2 =	sadd.s32 s19, s18  }
0x9c: {  	s6 =	simm.s32 $0x0;
	s20 =	sshll.u32 s4, $0x1;
	s4 =	sadd.s32 s21, s2  }
0x9d: {  	[timem:s6], [sflag:s22] =	dma.local [hbm:s4], s20  }
0x9e: {  	_ =	swait.ge [sflag:s22], s20  }
0x9f: {  	s3 =	ssub.s32 $0x0, s20;
	[sflag:s22] =	ssyncset.done $0x0  }
0xa0: {  	[sflag:s22] =	ssyncadd.s32 s3;
	_ =	sdelay $0x1  }
0xa1: {  	s23 =	simm.s32 $0x1B8B  }
0xa2: {  	_ =	swait.ge [sflag:s23], $0x1  }
0xa3: {  	[sflag:s23] =	ssyncset.done $0x0  }
0xa4: {  	s25 =	simm.s32 $0x1B8E;
	s24 =	sld [smem:$0x3FFE];
	[sflag:s23] =	ssyncadd.s32 $0xFFFFFFFF  }
0xa5: {  	s26 =	simm.s32 $execute0_lowered;
	[smem:$0x3FD2] =	sst s25  }
0xa6: {  	s4 =	sshll.u32 s26, $0x1;
	_ =	strace $0x80000046;
	[dreg:$0x1] =	wrdreg $0xFFFFFFFF  }
0xa7: {  	s28 =	simm.s32 $_size_execute0_lowered;
	s2 =	sadd.s32 s2, s4;
	[dreg:$0x0] =	wrdreg $0x0  }
0xa8: {  	s4 =	sshll.u32 s28, $0x1;
	[dreg:$0x2] =	wrdreg s2  }
0xa9: {  	[dreg:$0x3] =	wrdreg s4  }
0xaa: {  	[dreg:$0x4] =	wrdreg $0xC0  }
0xab: {  	_ =	task [dreg:s6], $0x5FFFF  }
0xac: {  	[dreg:$0x1] =	wrdreg $0xFFFFFFFF  }
0xad: {  	[dreg:$0x0] =	wrdreg $0x60  }
0xae: {  	[dreg:$0x2] =	wrdreg s24  }
0xaf: {  	[dreg:$0x3] =	wrdreg $0x11000  }
0xb0: {  	[dreg:$0x4] =	wrdreg $0x9  }
0xb1: {  	_ =	task.clear_ibuf [dreg:s6], $0x5FFFF;
	_ =	strace $0x90000046  }
0xb2: {  	s29 =	simm.s32 $0x9;
	_ =	strace $0x80000048  }
0xb3: {  	_ =	swait.ge [sflag:s29], $0x1  }
0xb4: {  	[sflag:s29] =	ssyncadd.s32 $0xFFFFFFFF  }
0xb5: {  	_ =	strace $0x90000048  }
0xb6: {  	_ =	sfence  }
0xb7: {  	s30 =	sld [smem:$0x0];
	_ =	sdelay $0x2  }
0xb8: {  	s31 =	sshll.u32 s1, $0xD;
	s1 =	sshrl.u32 s1, $0x2  }
0xb9: {  	s3 =	sand.u32 $0x4000, s31;
	s1 =	sadd.s32 s1, s30  }
0xba: {  	s0 =	sor.u32 s3, s0;
	s1 =	sshll.u32 s1, $0x11  }
0xbb: {  	s0 =	sor.u32 s1, s0  }
0xbc: {  	s0 =	sadd.s32 $0x8F2B, s0  }
0xbd: {  	[sflag:s0] =	ssyncadd.remote.s32 $0x1  }
0xbe: {  	_ =	sfence.sel $0xFFFF  }
0xbf: {  	[dreg:$0x0] =	wrdreg $0xFFFFFFFF;
	(pc) =	sbr.abs _section_cstart, $3  }
0xc0: {  	[dreg:$0x1] =	wrdreg $0xFFFFFFFF  }
0xc1: {  	_ =	task.clear_ibuf [dreg:s6], $0x2FFFF;
	_ =	strace $0x9FFFFFFF  }
0xc2: {  	(tm) =	ssettm $0x7FFFFFFF  }
0xc3: {  	_ =	shalt  }
tec
execute0_lowered:
.L_overlay_start_1:
0x0: {  	(tag) =	ssettag $0x1  }
0x1: {  	s3 =	rddreg [dreg:$0x0]  }
0x2: {  	s6 =	rddreg [dreg:$0x1]  }
0x3: {  	s0 =	rddreg [dreg:$0x2]  }
0x4: {  	s4 =	srdreg.scid;
	s1 =	stileid.u32  }
0x5: {  	s2 =	simm.s32 $0x0;
	s12 =	simm.s32 $0x2;
	s13 =	simm.s32 $0x800  }
0x6: {  	s14 =	simm.s32 $0x3;
	s15 =	simm.s32 $0xA80;
	s16 =	simm.s32 $0xD00  }
0x7: {  	s17 =	simm.s32 $0x0;
	s4 =	sand.u32 $0x1, s4;
	s5 =	sshll.u32 s1, $0xA  }
0x8: {  	s8 =	sshll.u32 s1, $0x7;
	[smem:$0x7FF] =	sst s2;
	s29 =	sshrl.u32 s1, $0x3  }
0x9: {  	s7 =	sshll.u32 s4, $0xE;
	s5 =	sand.u32 $0x2000, s5;
	s28 =	sand.u32 $0x380, s8  }
0xa: {  	_ =	strace $0x80000047;
	s4 =	ssub.s32 $0x2, s4;
	s9 =	smul.u32 $0x5000, s29  }
0xb: {  	s8 =	sxor.u32 $0x1, s29;
	s5 =	sor.u32 s7, s5;
	s10 =	sshrl.u32 s4, $0x1  }
0xc: {  	s8 =	smul.u32 $0x5000, s8;
	s5 =	sor.u32 s28, s5;
	s10 =	ssub.s32 s4, s10  }
0xd: {  	s30 =	sshrl.u32 s9, $0x2;
	s9 =	simm.s32 $0x80;
	s5 =	sshrl.u32 s5, $0x3  }
0xe: {  	s31 =	sadd.s32 s30, s6;
	s8 =	sshrl.u32 s8, $0x2;
	s11 =	sadd.s32 s5, s3  }
0xf: {  	s5 =	sadd.s32 s28, s31;
	s6 =	sadd.s32 s8, s6;
	s8 =	smax.u32 s10, $0x1  }
0x10: {  	s10 =	simm.s32 $0x400;
	s3 =	sadd.s32 $0x1A00, s11;
	s4 =	sadd.s32 $0xA00, s11  }
0x11: {  	v0 =	vimm.f32 $0.0e+00;
	v1 =	vimm.f32 $1.000000000e+00;
	s6 =	sadd.s32 s28, s6;
	s7 =	sadd.s32 $0x2A00, s11;
	s11 =	simm.s32 $0x1  }
.LBB2_1:
0x12: {  	[tilespmem:s2], [sflag:$0x1] =	stream.strided.gather [hbm4b:s3+s9], $0x400, s10, s9, $0x38;
	[tilespmem:$0x1380] =	vst v63  }
0x13: {  	_ = 	snop  }
0x14: {  	[tilespmem:s10], [sflag:$0x2] =	stream.strided.gather [hbm4b:s4+s9], $0x400, s10, s9, $0x38;
	[tilespmem:$0x1380] =	vst v63  }
0x15: {  	[tilespmem:$0x800] =	vst v0  }
0x16: {  	[tilespmem:$0x810] =	vst v0  }
0x17: {  	[tilespmem:$0x820] =	vst v0  }
0x18: {  	[tilespmem:$0x830] =	vst v0  }
0x19: {  	[tilespmem:$0x840] =	vst v0  }
0x1a: {  	[tilespmem:$0x850] =	vst v0  }
0x1b: {  	[tilespmem:$0x860] =	vst v0  }
0x1c: {  	[tilespmem:$0x870] =	vst v0  }
0x1d: {  	[tilespmem:$0x880] =	vst v0  }
0x1e: {  	[tilespmem:$0x890] =	vst v0  }
0x1f: {  	[tilespmem:$0x8A0] =	vst v0  }
0x20: {  	[tilespmem:$0x8B0] =	vst v0  }
0x21: {  	[tilespmem:$0x8C0] =	vst v0  }
0x22: {  	[tilespmem:$0x8D0] =	vst v0  }
0x23: {  	[tilespmem:$0x8E0] =	vst v0  }
0x24: {  	[tilespmem:$0x8F0] =	vst v0  }
0x25: {  	[tilespmem:$0x900] =	vst v0  }
0x26: {  	[tilespmem:$0x910] =	vst v0  }
0x27: {  	[tilespmem:$0x920] =	vst v0  }
0x28: {  	[tilespmem:$0x930] =	vst v0  }
0x29: {  	[tilespmem:$0x940] =	vst v0  }
0x2a: {  	[tilespmem:$0x950] =	vst v0  }
0x2b: {  	[tilespmem:$0x960] =	vst v0  }
0x2c: {  	[tilespmem:$0x970] =	vst v0  }
0x2d: {  	[tilespmem:$0x980] =	vst v0  }
0x2e: {  	[tilespmem:$0x990] =	vst v0  }
0x2f: {  	[tilespmem:$0x9A0] =	vst v0  }
0x30: {  	[tilespmem:$0x9B0] =	vst v0  }
0x31: {  	[tilespmem:$0x9C0] =	vst v0  }
0x32: {  	[tilespmem:$0x9D0] =	vst v0  }
0x33: {  	[tilespmem:$0x9E0] =	vst v0  }
0x34: {  	[tilespmem:$0x9F0] =	vst v0  }
0x35: {  	[tilespmem:$0xA00] =	vst v0  }
0x36: {  	[tilespmem:$0xA10] =	vst v0  }
0x37: {  	[tilespmem:$0xA20] =	vst v0  }
0x38: {  	[tilespmem:$0xA30] =	vst v0  }
0x39: {  	[tilespmem:$0xA40] =	vst v0  }
0x3a: {  	[tilespmem:$0xA50] =	vst v0  }
0x3b: {  	[tilespmem:$0xA60] =	vst v0  }
0x3c: {  	[tilespmem:$0xA70] =	vst v0  }
0x3d: {  	_ =	swait.ge [sflag:s11], $0x400  }
0x3e: {  	[sflag:s11] =	ssyncset.done $0x0  }
0x3f: {  	[sflag:s11] =	ssyncadd.s32 $0xFFFFFC00  }
0x40: {  	_ =	swait.ge [sflag:s12], $0x400  }
0x41: {  	s18 =	simm.s32 $0xFFFFFFFC;
	[sflag:s12] =	ssyncset.done $0x0  }
0x42: {  	s19 =	simm.s32 $0x420;
	s20 =	simm.s32 $0x20;
	[sflag:s12] =	ssyncadd.s32 $0xFFFFFC00  }
.LBB2_2:
0x43: {  	v2 =	vld [tilespmem:s19+$0xFFFFFFE0]  }
0x44: {  	v3 =	vld [tilespmem:s20+$0xFFFFFFE0];
	_ =	sdelay $0x3  }
0x45: {  	v2 =	vadd.s32 $0x140, v2;
	_ =	sdelay $0x3  }
0x46: {  	[tilespmem:v3+s13+$0x0] =	vst.idx.add.f32.msk $0xffff, v1  }
0x47: {  	[tilespmem:v2+s13+$0x0] =	vst.idx.add.f32.msk $0xffff, v1  }
0x48: {  	v2 =	vld [tilespmem:s19+$0xFFFFFFF0]  }
0x49: {  	v3 =	vld [tilespmem:s20+$0xFFFFFFF0];
	_ =	sdelay $0x3  }
0x4a: {  	v2 =	vadd.s32 $0x140, v2;
	_ =	sdelay $0x3  }
0x4b: {  	[tilespmem:v3+s13+$0x0] =	vst.idx.add.f32.msk $0xffff, v1  }
0x4c: {  	[tilespmem:v2+s13+$0x0] =	vst.idx.add.f32.msk $0xffff, v1  }
0x4d: {  	v2 =	vld [tilespmem:s19+$0x0]  }
0x4e: {  	v3 =	vld [tilespmem:s20+$0x0];
	_ =	sdelay $0x3  }
0x4f: {  	v2 =	vadd.s32 $0x140, v2;
	_ =	sdelay $0x3  }
0x50: {  	[tilespmem:v3+s13+$0x0] =	vst.idx.add.f32.msk $0xffff, v1  }
0x51: {  	[tilespmem:v2+s13+$0x0] =	vst.idx.add.f32.msk $0xffff, v1  }
0x52: {  	v2 =	vld [tilespmem:s19+$0x10]  }
0x53: {  	v3 =	vld [tilespmem:s20+$0x10];
	_ =	sdelay $0x2  }
0x54: {  	s18 =	sadd.s32 $0x4, s18  }
0x55: {  	p0 =	slt.u32 s18, $0x3C;
	v2 =	vadd.s32 $0x140, v2  }
.Ltmp0:
0x56: {  	_ = 	snop;
	(pc) =	sbr.rel @p0 .LBB2_2-.Ltmp0, $3  }
0x57: {  	_ =	sdelay $0x1  }
0x58: {  	[tilespmem:v3+s13+$0x0] =	vst.idx.add.f32.msk $0xffff, v1  }
0x59: {  	s19 =	sadd.s32 $0x40, s19;
	s20 =	sadd.s32 $0x40, s20;
	[tilespmem:v2+s13+$0x0] =	vst.idx.add.f32.msk $0xffff, v1  }
0x5a: {  	[spmem:s5] =	stream.strided.scatter [tilespmem:s13], [sflag:$0x3], $0x280, s10, s9, $0x38;
	[tilespmem:$0x1380] =	vst v63  }
0x5b: {  	_ =	swait.ge [sflag:s14], $0x280  }
0x5c: {  	[sflag:s14] =	ssyncset.done $0x0  }
0x5d: {  	[sflag:s14] =	ssyncadd.s32 $0xFFFFFD80  }
0x5e: {  	[bflag:$0x0] =	sbarrier.arrive $0xFFFF  }
0x5f: {  	[tilespmem:s15], [sflag:$0x3] =	stream.strided.gather [spmem:s6], $0x280, s10, s9, $0x38;
	[tilespmem:$0x1380] =	vst v63  }
0x60: {  	_ =	swait.ge [sflag:s14], $0x280  }
0x61: {  	[sflag:s14] =	ssyncset.done $0x0  }
0x62: {  	[sflag:s14] =	ssyncadd.s32 $0xFFFFFD80  }
0x63: {  	v2 =	vld [tilespmem:$0x800]  }
0x64: {  	v3 =	vld [tilespmem:$0xA80]  }
0x65: {  	v4 =	vld [tilespmem:$0x810]  }
0x66: {  	v5 =	vld [tilespmem:$0xA90]  }
0x67: {  	v6 =	vld [tilespmem:$0x820]  }
0x68: {  	v7 =	vld [tilespmem:$0xAA0]  }
0x69: {  	v8 =	vld [tilespmem:$0x830]  }
0x6a: {  	v9 =	vld [tilespmem:$0xAB0]  }
0x6b: {  	v10 =	vld [tilespmem:$0x840]  }
0x6c: {  	v11 =	vld [tilespmem:$0xAC0]  }
0x6d: {  	v12 =	vld [tilespmem:$0x850]  }
0x6e: {  	v13 =	vld [tilespmem:$0xAD0]  }
0x6f: {  	v14 =	vld [tilespmem:$0x860]  }
0x70: {  	v15 =	vld [tilespmem:$0xAE0]  }
0x71: {  	v16 =	vld [tilespmem:$0x870]  }
0x72: {  	v17 =	vld [tilespmem:$0xAF0]  }
0x73: {  	v18 =	vld [tilespmem:$0x880]  }
0x74: {  	v19 =	vld [tilespmem:$0xB00]  }
0x75: {  	v20 =	vld [tilespmem:$0x890]  }
0x76: {  	v21 =	vld [tilespmem:$0xB10]  }
0x77: {  	v22 =	vld [tilespmem:$0x8A0]  }
0x78: {  	v23 =	vld [tilespmem:$0xB20]  }
0x79: {  	v24 =	vld [tilespmem:$0x8B0]  }
0x7a: {  	v25 =	vld [tilespmem:$0xB30]  }
0x7b: {  	v26 =	vld [tilespmem:$0x8C0]  }
0x7c: {  	v27 =	vld [tilespmem:$0xB40]  }
0x7d: {  	v28 =	vld [tilespmem:$0x8D0]  }
0x7e: {  	v29 =	vld [tilespmem:$0xB50]  }
0x7f: {  	v30 =	vld [tilespmem:$0x8E0]  }
0x80: {  	v31 =	vld [tilespmem:$0xB60]  }
0x81: {  	v32 =	vld [tilespmem:$0x8F0]  }
0x82: {  	v33 =	vld [tilespmem:$0xB70]  }
0x83: {  	v34 =	vld [tilespmem:$0x900]  }
0x84: {  	v35 =	vld [tilespmem:$0xB80]  }
0x85: {  	v36 =	vld [tilespmem:$0x910]  }
0x86: {  	v37 =	vld [tilespmem:$0xB90]  }
0x87: {  	v38 =	vld [tilespmem:$0x920]  }
0x88: {  	v39 =	vld [tilespmem:$0xBA0]  }
0x89: {  	v40 =	vld [tilespmem:$0x930]  }
0x8a: {  	v41 =	vld [tilespmem:$0xBB0]  }
0x8b: {  	v42 =	vld [tilespmem:$0x940]  }
0x8c: {  	v43 =	vld [tilespmem:$0xBC0]  }
0x8d: {  	v44 =	vld [tilespmem:$0x950]  }
0x8e: {  	v45 =	vld [tilespmem:$0xBD0]  }
0x8f: {  	v46 =	vld [tilespmem:$0x960]  }
0x90: {  	v47 =	vld [tilespmem:$0x970];
	v2 =	vadd.f32 v3, v2  }
0x91: {  	v48 =	vld [tilespmem:$0xBF0];
	v4 =	vadd.f32 v5, v4  }
0x92: {  	v50 =	vld [tilespmem:$0x980];
	[tilespmem:$0x800] =	vst v2;
	v2 =	vadd.f32 v7, v6  }
0x93: {  	v51 =	vld [tilespmem:$0xC00];
	v49 =	vadd.f32 v9, v8;
	[tilespmem:$0x810] =	vst v4  }
0x94: {  	v53 =	vld [tilespmem:$0x990];
	[tilespmem:$0x820] =	vst v2;
	v2 =	vadd.f32 v11, v10  }
0x95: {  	v54 =	vld [tilespmem:$0xC10];
	v52 =	vadd.f32 v13, v12;
	[tilespmem:$0x830] =	vst v49  }
0x96: {  	v56 =	vld [tilespmem:$0x9A0];
	[tilespmem:$0x840] =	vst v2;
	v2 =	vadd.f32 v15, v14  }
0x97: {  	v57 =	vld [tilespmem:$0xC20];
	v55 =	vadd.f32 v17, v16;
	[tilespmem:$0x850] =	vst v52  }
0x98: {  	v59 =	vld [tilespmem:$0x9B0];
	[tilespmem:$0x860] =	vst v2;
	v2 =	vadd.f32 v19, v18  }
0x99: {  	v60 =	vld [tilespmem:$0xC30];
	v58 =	vadd.f32 v21, v20;
	[tilespmem:$0x870] =	vst v55  }
0x9a: {  	v62 =	vld [tilespmem:$0x9C0];
	[tilespmem:$0x880] =	vst v2;
	v2 =	vadd.f32 v23, v22  }
0x9b: {  	v63 =	vld [tilespmem:$0xC40];
	v61 =	vadd.f32 v25, v24;
	[tilespmem:$0x890] =	vst v58  }
0x9c: {  	v3 =	vld [tilespmem:$0xBE0];
	[tilespmem:$0x8A0] =	vst v2;
	v2 =	vadd.f32 v27, v26  }
0x9d: {  	v28 =	vadd.f32 v29, v28;
	v29 =	vld [tilespmem:$0x9D0];
	[tilespmem:$0x8B0] =	vst v61  }
0x9e: {  	v32 =	vadd.f32 v33, v32;
	v33 =	vld [tilespmem:$0x9E0];
	[tilespmem:$0x8C0] =	vst v2;
	v2 =	vadd.f32 v31, v30  }
0x9f: {  	v36 =	vadd.f32 v37, v36;
	v37 =	vld [tilespmem:$0x9F0];
	[tilespmem:$0x8D0] =	vst v28  }
0xa0: {  	v40 =	vadd.f32 v41, v40;
	v41 =	vld [tilespmem:$0xA00];
	[tilespmem:$0x8E0] =	vst v2;
	v2 =	vadd.f32 v35, v34  }
0xa1: {  	v44 =	vadd.f32 v45, v44;
	v45 =	vld [tilespmem:$0xA10];
	[tilespmem:$0x8F0] =	vst v32  }
0xa2: {  	v47 =	vadd.f32 v48, v47;
	v48 =	vld [tilespmem:$0xA20];
	[tilespmem:$0x900] =	vst v2;
	v2 =	vadd.f32 v39, v38  }
0xa3: {  	[tilespmem:$0x910] =	vst v36;
	v49 =	vld [tilespmem:$0xCA0]  }
0xa4: {  	v52 =	vld [tilespmem:$0xCB0];
	[tilespmem:$0x920] =	vst v2;
	v2 =	vadd.f32 v43, v42  }
0xa5: {  	[tilespmem:$0x930] =	vst v40;
	v55 =	vld [tilespmem:$0xCC0]  }
0xa6: {  	v58 =	vld [tilespmem:$0xCD0];
	[tilespmem:$0x940] =	vst v2;
	v2 =	vadd.f32 v3, v46  }
0xa7: {  	[tilespmem:$0x950] =	vst v44;
	v39 =	vld [tilespmem:$0xC70]  }
0xa8: {  	v61 =	vld [tilespmem:$0xCE0];
	[tilespmem:$0x960] =	vst v2;
	v2 =	vadd.f32 v51, v50  }
0xa9: {  	[tilespmem:$0x970] =	vst v47;
	v31 =	vld [tilespmem:$0xC50];
	v50 =	vadd.f32 v54, v53  }
0xaa: {  	v35 =	vld [tilespmem:$0xC60];
	v53 =	vadd.f32 v60, v59;
	[tilespmem:$0x980] =	vst v2  }
0xab: {  	v3 =	vld [tilespmem:$0xC90];
	v2 =	vadd.f32 v57, v56;
	[tilespmem:$0x990] =	vst v50  }
0xac: {  	v43 =	vld [tilespmem:$0xC80];
	v59 =	vadd.f32 v39, v37;
	[tilespmem:$0x9B0] =	vst v53  }
0xad: {  	v51 =	vld [tilespmem:$0xA30];
	[tilespmem:$0x9A0] =	vst v2;
	v2 =	vadd.f32 v63, v62  }
0xae: {  	v54 =	vld [tilespmem:$0xA40];
	v56 =	vadd.f32 v31, v29;
	[tilespmem:$0x9F0] =	vst v59  }
0xaf: {  	v57 =	vld [tilespmem:$0xA50];
	[tilespmem:$0x9C0] =	vst v2;
	v2 =	vadd.f32 v35, v33  }
0xb0: {  	v3 =	vadd.f32 v3, v45;
	[tilespmem:$0x9D0] =	vst v56;
	v62 =	vld [tilespmem:$0xA70]  }
0xb1: {  	v63 =	vld [tilespmem:$0xCF0];
	[tilespmem:$0x9E0] =	vst v2;
	v2 =	vadd.f32 v43, v41  }
0xb2: {  	v60 =	vld [tilespmem:$0xA60];
	[tilespmem:$0xA10] =	vst v3;
	v3 =	vadd.f32 v52, v51  }
0xb3: {  	[tilespmem:$0xA00] =	vst v2;
	v2 =	vadd.f32 v49, v48  }
0xb4: {  	[tilespmem:$0xA30] =	vst v3;
	v3 =	vadd.f32 v58, v57  }
0xb5: {  	[tilespmem:$0xA20] =	vst v2;
	v2 =	vadd.f32 v55, v54  }
0xb6: {  	[tilespmem:$0xA50] =	vst v3;
	v3 =	vadd.f32 v63, v62  }
0xb7: {  	[tilespmem:$0xA40] =	vst v2;
	v2 =	vadd.f32 v61, v60  }
0xb8: {  	s18 =	simm.s32 $0xFFFFFFFC;
	[tilespmem:$0xA70] =	vst v3  }
0xb9: {  	s19 =	simm.s32 $0xD20;
	s20 =	simm.s32 $0x420;
	s21 =	simm.s32 $0x20;
	[tilespmem:$0xA60] =	vst v2  }
.LBB2_4:
0xba: {  	v2 =	vld [tilespmem:s20+$0xFFFFFFE0]  }
0xbb: {  	v3 =	vld [tilespmem:s21+$0xFFFFFFE0];
	_ =	sdelay $0x3  }
0xbc: {  	v2 =	vadd.s32 $0x140, v2;
	_ =	sdelay $0x3  }
0xbd: {  	v3 =	vld.idx.msk [tilespmem:v3+s13+$0x0], $0xffff  }
0xbe: {  	v2 =	vld.idx.msk [tilespmem:v2+s13+$0x0], $0xffff;
	_ =	sdelay $0x4  }
0xbf: {  	v2 =	vadd.f32 v2, v3;
	_ =	sdelay $0x1  }
0xc0: {  	(erf) = vrcp.f32 v2;
	_ =	sdelay $0x8  }
0xc1: {  	v2 =	vpop (erf)  }
0xc2: {  	[tilespmem:s19+$0xFFFFFFE0] =	vst v2  }
0xc3: {  	v2 =	vld [tilespmem:s20+$0xFFFFFFF0]  }
0xc4: {  	v3 =	vld [tilespmem:s21+$0xFFFFFFF0];
	_ =	sdelay $0x3  }
0xc5: {  	v2 =	vadd.s32 $0x140, v2;
	_ =	sdelay $0x3  }
0xc6: {  	v3 =	vld.idx.msk [tilespmem:v3+s13+$0x0], $0xffff  }
0xc7: {  	v2 =	vld.idx.msk [tilespmem:v2+s13+$0x0], $0xffff;
	_ =	sdelay $0x4  }
0xc8: {  	v2 =	vadd.f32 v2, v3;
	_ =	sdelay $0x1  }
0xc9: {  	(erf) = vrcp.f32 v2;
	_ =	sdelay $0x8  }
0xca: {  	v2 =	vpop (erf)  }
0xcb: {  	[tilespmem:s19+$0xFFFFFFF0] =	vst v2  }
0xcc: {  	v2 =	vld [tilespmem:s20+$0x0]  }
0xcd: {  	v3 =	vld [tilespmem:s21+$0x0];
	_ =	sdelay $0x3  }
0xce: {  	v2 =	vadd.s32 $0x140, v2;
	_ =	sdelay $0x3  }
0xcf: {  	v3 =	vld.idx.msk [tilespmem:v3+s13+$0x0], $0xffff  }
0xd0: {  	v2 =	vld.idx.msk [tilespmem:v2+s13+$0x0], $0xffff;
	_ =	sdelay $0x4  }
0xd1: {  	v2 =	vadd.f32 v2, v3;
	_ =	sdelay $0x1  }
0xd2: {  	(erf) = vrcp.f32 v2;
	_ =	sdelay $0x8  }
0xd3: {  	v2 =	vpop (erf)  }
0xd4: {  	[tilespmem:s19+$0x0] =	vst v2  }
0xd5: {  	v2 =	vld [tilespmem:s20+$0x10]  }
0xd6: {  	v3 =	vld [tilespmem:s21+$0x10];
	_ =	sdelay $0x3  }
0xd7: {  	v2 =	vadd.s32 $0x140, v2;
	_ =	sdelay $0x3  }
0xd8: {  	v3 =	vld.idx.msk [tilespmem:v3+s13+$0x0], $0xffff  }
0xd9: {  	v2 =	vld.idx.msk [tilespmem:v2+s13+$0x0], $0xffff;
	_ =	sdelay $0x4  }
0xda: {  	v2 =	vadd.f32 v2, v3;
	_ =	sdelay $0x1  }
0xdb: {  	(erf) = vrcp.f32 v2;
	_ =	sdelay $0x3  }
0xdc: {  	s18 =	sadd.s32 $0x4, s18  }
0xdd: {  	p0 =	slt.u32 s18, $0x3C  }
.Ltmp1:
0xde: {  	_ = 	snop;
	(pc) =	sbr.rel @p0 .LBB2_4-.Ltmp1, $3  }
0xdf: {  	_ =	sdelay $0x1  }
0xe0: {  	v2 =	vpop (erf)  }
0xe1: {  	s20 =	sadd.s32 $0x40, s20;
	s21 =	sadd.s32 $0x40, s21;
	[tilespmem:s19+$0x10] =	vst v2;
	s19 =	sadd.s32 $0x40, s19  }
0xe2: {  	s17 =	sadd.s32 $0x1, s17  }
0xe3: {  	p0 =	sne.s32 s17, s8  }
.Ltmp2:
0xe4: {  	_ = 	snop;
	(pc) =	sbr.rel @p0 .LBB2_1-.Ltmp2, $4  }
0xe5: {  	[hbm4b:s7+s9] =	stream.strided.scatter [tilespmem:s16], [sflag:$0x3], $0x400, s10, s9, $0x38;
	[tilespmem:$0x1380] =	vst v63  }
0xe6: {  	_ =	swait.ge [sflag:s14], $0x400  }
0xe7: {  	[sflag:s14] =	ssyncset.done $0x0  }
0xe8: {  	[sflag:s14] =	ssyncadd.s32 $0xFFFFFC00  }
0xe9: {  	_ =	sfence.sel $0x180000  }
0xea: {  	[bflag:$0x0] =	sbarrier.arrive $0xFFFF  }
0xeb: {  	p0 =	sne.s32 s1, $0x0;
	_ =	strace $0x90000047  }
0xec: {  	s0 =	sadd.s32 @!p0 $0x100000, s0;
	[bflag:$0x2] =	sbarrier.arrive $0xFFFF  }
0xed: {  	[sflag:s0] =	ssyncadd.tile.s32 @!p0 $0x1;
	_ =	shalt  }
.Lfunc_end2:
_tile_overlayer_lowered:
.L_overlay_start_2:
0xee: {  	(tag) =	ssettag $0x2  }
0xef: {  	s0 =	rddreg [dreg:$0x0];
	s2 =	stileid.u32  }
0xf0: {  	s1 =	rddreg [dreg:$0x1];
	p0 =	sne.s32 s2, $0x0  }
0xf1: {  	s3 =	rddreg [dreg:$0x2];
	[bflag:$0x3] =	sbarrier.arrive $0xFFFF;
	s2 =	simm.s32 @!p0 $0x1C03  }
0xf2: {  	[timem:s3], [sflag:s2] =	dma.local @!p0 [hbm:s0], s1  }
0xf3: {  	s0 =	simm.s32 @!p0 $0x3  }
0xf4: {  	_ =	swait.ge @!p0 [sflag:s0], s1  }
0xf5: {  	s1 =	ssub.s32 @!p0 $0x0, s1;
	[sflag:s0] =	ssyncset.done @!p0 $0x0  }
0xf6: {  	[sflag:s0] =	ssyncadd.s32 @!p0 s1  }
0xf7: {  	[bflag:$0x3] =	sbarrier.arrive $0xFFFF  }
0xf8: {  	_ =	shalt  }

</sc_bundles>
